<compile_context>
chip_gen: v7x
topology: tpu7x:2x2x1
jax: 0.10.2.dev20260603
libtpu: 0.0.44.dev20260713+nightly
codegen_flags: <defaults>
</compile_context>

<pallas_src>
import functools

import numpy as np
import jax
import jax.numpy as jnp
from jax import lax
from jax.experimental import pallas as pl
from jax.experimental.pallas import tpu as pltpu
from jax.experimental.pallas import tpu_sc as plsc

_FH = _FW = 32
_IH = _IW = 512
_NA = _FH * _FW * 9
_NEG = float("-inf")


def _static_anchors():
    x_stride = _IW / _FW
    y_stride = _IH / _FH
    x_centers = np.arange(x_stride / 2.0, _IW, x_stride)
    y_centers = np.arange(y_stride / 2.0, _IH, y_stride)
    centers = np.array(np.meshgrid(x_centers, y_centers, indexing='xy')).T.reshape(-1, 2)
    ratios = [0.5, 1.0, 2.0]
    scales = [8, 16, 32]
    anchors = []
    for (x, y) in centers:
        for ratio in ratios:
            for scale in scales:
                h = np.sqrt(scale ** 2 / ratio) * y_stride
                w = h * ratio * x_stride / y_stride
                anchors.append([x - w / 2.0, y - h / 2.0, x + w / 2.0, y + h / 2.0])
    anchors = np.asarray(anchors, dtype=np.float32)
    inside = np.where((anchors[:, 0] >= 0) & (anchors[:, 1] >= 0)
                      & (anchors[:, 2] <= _IW) & (anchors[:, 3] <= _IH))[0]
    return anchors, inside


_ANCH, _INSIDE = _static_anchors()
_ANCHORS_OUT = _ANCH[_INSIDE]
_WA = (_ANCH[:, 2] - _ANCH[:, 0]).astype(np.float32)
_HA = (_ANCH[:, 3] - _ANCH[:, 1]).astype(np.float32)
_XA = (_ANCH[:, 0] + _WA / np.float32(2.0)).astype(np.float32)
_YA = (_ANCH[:, 1] + _HA / np.float32(2.0)).astype(np.float32)
_ins_mask = np.zeros((_NA,), np.bool_)
_ins_mask[_INSIDE] = True
_MASKADD = np.where(_ins_mask, np.float32(0.0), np.float32(-np.inf)).astype(np.float32)

_REG_COLS = np.asarray([c * 8 + i for c in range(9) for i in range(4)])

_NSUB = 16
_CHUNK = _NA // _NSUB
_NV = _CHUNK // 16
_HROWS = 64

_AORD = np.concatenate([
    ((t * 64 + np.arange(64))[None, :] * 9 + np.arange(9)[:, None]).reshape(-1)
    for t in range(_NSUB)])
_CONSTSP = np.concatenate([
    np.concatenate([_WA[_AORD[t * _CHUNK:(t + 1) * _CHUNK]],
                    _HA[_AORD[t * _CHUNK:(t + 1) * _CHUNK]],
                    _XA[_AORD[t * _CHUNK:(t + 1) * _CHUNK]],
                    _YA[_AORD[t * _CHUNK:(t + 1) * _CHUNK]],
                    _MASKADD[_AORD[t * _CHUNK:(t + 1) * _CHUNK]]])
    for t in range(_NSUB)]).astype(np.float32)



def _trunk_body(x_ref, w_ref, b1_ref, rw_ref, ce_ref, rb_ref, cb_ref, eb_ref, out_ref, out2_ref, acc_ref, xm_ref, xp_ref):
    k = pl.program_id(0)

    x = x_ref[...]

    @pl.when(k == 0)
    def _():
        wpos = lax.broadcasted_iota(jnp.int32, (1024, 512), 0) % 32
        xm = jnp.concatenate([jnp.zeros((1, 512), jnp.float32), x[:-1]], axis=0)
        xm_ref[...] = jnp.where(wpos == 0, jnp.float32(0.0), xm)
        xp = jnp.concatenate([x[1:], jnp.zeros((1, 512), jnp.float32)], axis=0)
        xp_ref[...] = jnp.where(wpos == 31, jnp.float32(0.0), xp)

    w = w_ref[...]
    for dy in range(3):
        @pl.when(k == dy)
        def _(dy=dy):
            s = (dy - 1) * 32

            def sh(a):
                if s > 0:
                    return jnp.concatenate(
                        [a[s:], jnp.zeros((s, 512), jnp.float32)], axis=0)
                if s < 0:
                    return jnp.concatenate(
                        [jnp.zeros((-s, 512), jnp.float32), a[:s]], axis=0)
                return a

            xcat = jnp.concatenate([sh(xm_ref[...]), sh(x), sh(xp_ref[...])],
                                   axis=1)
            contrib = jnp.dot(xcat, w, preferred_element_type=jnp.float32)
            if dy == 0:
                acc_ref[...] = contrib
            else:
                acc_ref[...] += contrib

    @pl.when(k == 2)
    def _():
        x1 = jnp.maximum(acc_ref[...] + b1_ref[...], jnp.float32(0.0))
        zw = jnp.zeros((512, 9), jnp.float32)
        whv = jnp.concatenate([rw_ref[...].T, ce_ref[...].T, zw], axis=1)
        zb = jnp.zeros((1, 9), jnp.float32)
        bhv = jnp.concatenate([rb_ref[...], cb_ref[...], eb_ref[...], zb],
                              axis=1)
        heads = (jnp.dot(x1, whv, preferred_element_type=jnp.float32)
                 + bhv)
        out_ref[...] = heads[:, 81:135]
        ht = heads.T
        for t in range(16):
            out2_ref[t] = ht[:, t * 64:(t + 1) * 64]


def _trunk(x, w1, b1, rw, ce, rb, cb, eb):
    return pl.pallas_call(
        _trunk_body,
        grid=(3,),
        in_specs=[
            pl.BlockSpec((1024, 512), lambda k: (0, 0)),
            pl.BlockSpec((1536, 512), lambda k: (k, 0)),
            pl.BlockSpec((1, 512), lambda k: (0, 0)),
            pl.BlockSpec((72, 512), lambda k: (0, 0)),
            pl.BlockSpec((63, 512), lambda k: (0, 0)),
            pl.BlockSpec((1, 72), lambda k: (0, 0)),
            pl.BlockSpec((1, 9), lambda k: (0, 0)),
            pl.BlockSpec((1, 54), lambda k: (0, 0)),
        ],
        out_specs=[pl.BlockSpec((1024, 54), lambda k: (0, 0)),
                   pl.BlockSpec((16, 144, 64), lambda k: (0, 0, 0))],
        out_shape=(jax.ShapeDtypeStruct((1024, 54), jnp.float32),
                   jax.ShapeDtypeStruct((16, 144, 64), jnp.float32)),
        scratch_shapes=[pltpu.VMEM((1024, 512), jnp.float32),
                        pltpu.VMEM((1024, 512), jnp.float32),
                        pltpu.VMEM((1024, 512), jnp.float32)],
        interpret=False,
    )(x, w1, b1, rw, ce, rb, cb, eb)



def _nms_body(h3_h, cst_h, out_h,
              hv, cv,
              x1_v, y1_v, x2_v, y2_v, ar_v, s_v,
              tmp_v, tmpi_v, asc_v, aix_v,
              score_sh, idx_sh, box_sh):
    sid = lax.axis_index("s")
    base = sid * _CHUNK
    lane = lax.broadcasted_iota(jnp.int32, (16,), 0)

    pltpu.sync_copy(h3_h.at[sid], hv)
    pltpu.sync_copy(cst_h.at[pl.ds(sid * (5 * _CHUNK), 5 * _CHUNK)], cv)

    def dec(j, carry):
        sl = pl.ds(j * 16, 16)
        c = j >> 2
        po = (j & 3) * 16
        psl = pl.ds(po, 16)
        d0 = hv[c * 8, psl]
        d1 = hv[c * 8 + 1, psl]
        d2 = hv[c * 8 + 2, psl]
        d3 = hv[c * 8 + 3, psl]
        wa = cv[pl.ds(j * 16, 16)]
        ha = cv[pl.ds(_CHUNK + j * 16, 16)]
        px = cv[pl.ds(2 * _CHUNK + j * 16, 16)] + wa * d0
        py = cv[pl.ds(3 * _CHUNK + j * 16, 16)] + ha * d1
        pw = wa * jnp.exp(d2)
        ph = ha * jnp.exp(d3)
        tx = px - pw / 2.0
        ty = py - ph / 2.0
        x1 = jnp.clip(tx, 0.0, float(_IW))
        y1 = jnp.clip(ty, 0.0, float(_IH))
        x2 = jnp.clip(tx + pw, 0.0, float(_IW))
        y2 = jnp.clip(ty + ph, 0.0, float(_IH))
        x1_v[sl] = x1
        y1_v[sl] = y1
        x2_v[sl] = x2
        y2_v[sl] = y2
        ar_v[sl] = (x2 - x1) * (y2 - y1)
        s_v[sl] = hv[72 + c, psl] + cv[pl.ds(4 * _CHUNK + j * 16, 16)]
        return carry

    lax.fori_loop(0, _NV, dec, 0)

    _gdn = lax.GatherDimensionNumbers(
        offset_dims=(), collapsed_slice_dims=(0,), start_index_map=(0,))

    def _btake(v, idx):
        return lax.gather(v, idx[:, None], _gdn, (1,),
                          mode=lax.GatherScatterMode.PROMISE_IN_BOUNDS)

    def nms_round(r, carry):
        def amax(j, c):
            b, bi = c
            v = s_v[pl.ds(j * 16, 16)]
            gv = base + j * 16 + lane
            m = v > b
            return jnp.where(m, v, b), jnp.where(m, gv, bi)

        best, bidx = lax.fori_loop(
            0, _NV, amax,
            (jnp.full((16,), _NEG, jnp.float32), jnp.zeros((16,), jnp.int32)))
        for k in (8, 4, 2, 1):
            perm = lane ^ k
            ov = _btake(best, perm)
            oi = _btake(bidx, perm)
            tk = (ov > best) | ((ov == best) & (oi < bidx))
            best = jnp.where(tk, ov, best)
            bidx = jnp.where(tk, oi, bidx)

        tmp_v[...] = best
        pltpu.sync_copy(tmp_v, score_sh.at[pl.ds(sid * 16, 16)])
        tmpi_v[...] = bidx
        pltpu.sync_copy(tmpi_v, idx_sh.at[pl.ds(sid * 16, 16)])
        plsc.subcore_barrier()

        pltpu.sync_copy(score_sh, asc_v)
        pltpu.sync_copy(idx_sh, aix_v)
        gb = jnp.full((16,), _NEG, jnp.float32)
        gi = jnp.zeros((16,), jnp.int32)
        for t in range(_NSUB):
            v = asc_v[pl.ds(t * 16, 16)]
            iv = aix_v[pl.ds(t * 16, 16)]
            m = v > gb
            gb = jnp.where(m, v, gb)
            gi = jnp.where(m, iv, gi)
        gwin = gi[0]
        wsid = gwin // _CHUNK
        wlid = gwin - wsid * _CHUNK

        @pl.when(wsid == sid)
        def _():
            off = (wlid // 16) * 16
            ln = wlid - off
            sl = pl.ds(off, 16)
            lnv = jnp.full((16,), ln, jnp.int32)

            def pick(v):
                return _btake(v, lnv)

            bx1 = pick(x1_v[sl])
            by1 = pick(y1_v[sl])
            bx2 = pick(x2_v[sl])
            by2 = pick(y2_v[sl])
            bar = pick(ar_v[sl])
            buf = jnp.where(
                lane == 0, bx1,
                jnp.where(lane == 1, by1,
                          jnp.where(lane == 2, bx2,
                                    jnp.where(lane == 3, by2, bar))))
            tmp_v[...] = buf
            pltpu.sync_copy(tmp_v, box_sh)
            pltpu.sync_copy(tmp_v, out_h.at[r])

        plsc.subcore_barrier()

        pltpu.sync_copy(box_sh, tmp_v)
        bv = tmp_v[...]
        zero = jnp.zeros((16,), jnp.int32)
        bx1 = _btake(bv, zero)
        by1 = _btake(bv, zero + 1)
        bx2 = _btake(bv, zero + 2)
        by2 = _btake(bv, zero + 3)
        bar = _btake(bv, zero + 4)
        gwv = gi

        def sup(j, carry):
            sl = pl.ds(j * 16, 16)
            cx1 = x1_v[sl]
            cy1 = y1_v[sl]
            cx2 = x2_v[sl]
            cy2 = y2_v[sl]
            car = ar_v[sl]
            ix1 = jnp.maximum(bx1, cx1)
            iy1 = jnp.maximum(by1, cy1)
            ix2 = jnp.minimum(bx2, cx2)
            iy2 = jnp.minimum(by2, cy2)
            inter = jnp.maximum(ix2 - ix1, 0.0) * jnp.maximum(iy2 - iy1, 0.0)
            iou = inter / (bar + car - inter + 1e-9)
            gvec = base + j * 16 + lane
            s_v[sl] = jnp.where((iou > 0.5) | (gvec == gwv),
                                jnp.float32(_NEG), s_v[sl])
            return carry

        lax.fori_loop(0, _NV, sup, 0)
        return carry

    lax.fori_loop(0, 6, nms_round, 0)


@functools.partial(
    pl.kernel,
    out_type=jax.ShapeDtypeStruct((6, 16), jnp.float32),
    mesh=plsc.VectorSubcoreMesh(core_axis_name="c", subcore_axis_name="s",
                                num_cores=1, num_subcores=_NSUB),
    scratch_types=(
        [pltpu.VMEM((144, _HROWS), jnp.float32),
         pltpu.VMEM((5 * _CHUNK,), jnp.float32)]
        + [pltpu.VMEM((_CHUNK,), jnp.float32) for _ in range(6)]
        + [pltpu.VMEM((16,), jnp.float32), pltpu.VMEM((16,), jnp.int32),
           pltpu.VMEM((_NSUB * 16,), jnp.float32),
           pltpu.VMEM((_NSUB * 16,), jnp.int32),
           pltpu.VMEM_SHARED((_NSUB * 16,), jnp.float32),
           pltpu.VMEM_SHARED((_NSUB * 16,), jnp.int32),
           pltpu.VMEM_SHARED((16,), jnp.float32)]),
    interpret=False,
)
def _nms(*refs):
    _nms_body(*refs)



def kernel(features, image, conv1_w, conv1_b, reg_w, reg_b, cls_w, cls_b,
           eye_w, eye_b):
    x = features.reshape(1024, 512)
    w1 = conv1_w.reshape(9 * 512, 512)
    b1 = conv1_b.reshape(1, 512)

    wce = jnp.concatenate([cls_w.reshape(512, 9).T,
                           eye_w.reshape(512, 54).T], axis=0)
    heads_eye, heads3 = _trunk(x, w1, b1,
                               reg_w.reshape(512, 72).T, wce,
                               reg_b.reshape(1, 72),
                               cls_b.reshape(1, 9), eye_b.reshape(1, 54))

    eye_rows = heads_eye.reshape(-1, 4)
    rois16 = _nms(heads3, jnp.asarray(_CONSTSP))
    rois = rois16[:, :4]
    return jnp.concatenate([eye_rows, rois, jnp.asarray(_ANCHORS_OUT)], axis=0)

# --- scband reference (transcript-rebuilt; emitter-appended) ---
"""Pipeline reference for scband-rpn-17523466568010 (READ-ONLY COPY).

The authoritative reference and input builder live on the scoring server;
editing this copy changes nothing except your own understanding.
"""

import jax, jax.numpy as jnp
import numpy as np


def generate_anchors(feat_h, feat_w, img_h, img_w):
    x_stride = img_w / feat_w
    y_stride = img_h / feat_h
    x_centers = np.arange(x_stride / 2.0, img_w, x_stride)
    y_centers = np.arange(y_stride / 2.0, img_h, y_stride)
    centers = np.array(np.meshgrid(x_centers, y_centers, indexing='xy')).T.reshape(-1, 2)
    ratios = [0.5, 1.0, 2.0]
    scales = [8, 16, 32]
    anchors = []
    for (x, y) in centers:
        for ratio in ratios:
            for scale in scales:
                h = np.sqrt(scale ** 2 / ratio) * y_stride
                w = h * ratio * x_stride / y_stride
                anchors.append([x - w / 2.0, y - h / 2.0, x + w / 2.0, y + h / 2.0])
    anchors = np.asarray(anchors, dtype=np.float32)
    inside = np.where((anchors[:, 0] >= 0) & (anchors[:, 1] >= 0) & (anchors[:, 2] <= img_w) & (anchors[:, 3] <= img_h))[0]
    return anchors, inside


def conv2d(x, w, b):
    y = jax.lax.conv_general_dilated(x, w, (1, 1), 'SAME', dimension_numbers=('NHWC', 'HWIO', 'NHWC'))
    return y + b


def iou_one_to_many(box, boxes):
    x1 = jnp.maximum(box[0], boxes[:, 0])
    y1 = jnp.maximum(box[1], boxes[:, 1])
    x2 = jnp.minimum(box[2], boxes[:, 2])
    y2 = jnp.minimum(box[3], boxes[:, 3])
    inter = jnp.maximum(x2 - x1, 0.0) * jnp.maximum(y2 - y1, 0.0)
    a1 = (box[2] - box[0]) * (box[3] - box[1])
    a2 = (boxes[:, 2] - boxes[:, 0]) * (boxes[:, 3] - boxes[:, 1])
    return inter / (a1 + a2 - inter + 1e-9)


def nms(boxes, scores, max_out=6, iou_thresh=0.5):
    s = scores
    idxs = []
    for _ in range(max_out):
        i = jnp.argmax(s)
        idxs.append(i)
        ious = iou_one_to_many(boxes[i], boxes)
        s = jnp.where(ious > iou_thresh, -jnp.inf, s)
        s = s.at[i].set(-jnp.inf)
    return jnp.stack(idxs)


def setup_inputs(seed: int = 0):
    key = jax.random.key(seed)
    ks = jax.random.split(key, 8)
    B, FH, FW, C = 1, 32, 32, 512
    IH, IW = 512, 512
    features = jax.random.normal(ks[0], (B, FH, FW, C), dtype=jnp.float32)
    image = jax.random.uniform(ks[1], (B, IH, IW, 3), dtype=jnp.float32)
    conv1_w = jax.random.normal(ks[2], (3, 3, C, 512), dtype=jnp.float32) * 0.01
    conv1_b = jnp.zeros((512,), dtype=jnp.float32)
    reg_w = jax.random.normal(ks[3], (1, 1, 512, 72), dtype=jnp.float32) * 0.01
    reg_b = jnp.zeros((72,), dtype=jnp.float32)
    cls_w = jax.random.normal(ks[4], (1, 1, 512, 9), dtype=jnp.float32) * 0.01
    cls_b = jnp.zeros((9,), dtype=jnp.float32)
    eye_w = jax.random.normal(ks[5], (1, 1, 512, 54), dtype=jnp.float32) * 0.01
    eye_b = jnp.zeros((54,), dtype=jnp.float32)
    return {"features": features, "image": image, "conv1_w": conv1_w, "conv1_b": conv1_b, "reg_w": reg_w, "reg_b": reg_b, "cls_w": cls_w, "cls_b": cls_b, "eye_w": eye_w, "eye_b": eye_b}


def reference(features, image, conv1_w, conv1_b, reg_w, reg_b, cls_w, cls_b, eye_w, eye_b):
    B, FH, FW, _ = features.shape
    _, IH, IW, _ = image.shape
    anchors_all, inside = generate_anchors(FH, FW, IH, IW)
    anchors = jnp.asarray(anchors_all[inside])
    x = jax.nn.relu(conv2d(features, conv1_w, conv1_b))
    deltas = conv2d(x, reg_w, reg_b).reshape(B, FH * FW * 9, 8)[..., :4]
    scores = jax.nn.sigmoid(conv2d(x, cls_w, cls_b)).reshape(B, FH * FW * 9)
    eye = conv2d(x, eye_w, eye_b)
    deltas = deltas[0][inside]
    scores = scores[0][inside]
    w_a = anchors[:, 2] - anchors[:, 0]
    h_a = anchors[:, 3] - anchors[:, 1]
    x_a = anchors[:, 0] + w_a / 2.0
    y_a = anchors[:, 1] + h_a / 2.0
    px = x_a + w_a * deltas[:, 0]
    py = y_a + h_a * deltas[:, 1]
    pw = w_a * jnp.exp(deltas[:, 2])
    ph = h_a * jnp.exp(deltas[:, 3])
    x1 = jnp.clip(px - pw / 2.0, 0.0, IW)
    y1 = jnp.clip(py - ph / 2.0, 0.0, IH)
    x2 = jnp.clip(px - pw / 2.0 + pw, 0.0, IW)
    y2 = jnp.clip(py - ph / 2.0 + ph, 0.0, IH)
    boxes = jnp.stack([x1, y1, x2, y2], axis=1)
    keep = nms(boxes, scores, max_out=6, iou_thresh=0.5)
    rois = boxes[keep]
    eye_rows = eye.reshape(-1, 4)
    return jnp.concatenate([eye_rows, rois, anchors], axis=0)

if __name__ == "__main__":
    import jax
    _d = setup_inputs()
    print(jax.jit(kernel)(*tuple(_d.values())))

</pallas_src>

<mosaic_0001>
#map = affine_map<(d0, d1) -> (0, 0, 0)>
#map1 = affine_map<(d0, d1) -> (0)>
#map2 = affine_map<(d0, d1) -> (0, 0)>
module attributes {stable_mosaic.version = 14 : i64} {
  func.func @_nms(%arg0: i32, %arg1: i32, %arg2: memref<16x144x64xf32, #tpu.memory_space<hbm>>, %arg3: memref<46080xf32, #tpu.memory_space<hbm>>, %arg4: memref<6x16xf32, #tpu.memory_space<hbm>>, %arg5: memref<144x64xf32, #tpu.memory_space<vmem>>, %arg6: memref<2880xf32, #tpu.memory_space<vmem>>, %arg7: memref<576xf32, #tpu.memory_space<vmem>>, %arg8: memref<576xf32, #tpu.memory_space<vmem>>, %arg9: memref<576xf32, #tpu.memory_space<vmem>>, %arg10: memref<576xf32, #tpu.memory_space<vmem>>, %arg11: memref<576xf32, #tpu.memory_space<vmem>>, %arg12: memref<576xf32, #tpu.memory_space<vmem>>, %arg13: memref<16xf32, #tpu.memory_space<vmem>>, %arg14: memref<16xi32, #tpu.memory_space<vmem>>, %arg15: memref<256xf32, #tpu.memory_space<vmem>>, %arg16: memref<256xi32, #tpu.memory_space<vmem>>, %arg17: memref<256xf32, #tpu.memory_space<vmem_shared>>, %arg18: memref<256xi32, #tpu.memory_space<vmem_shared>>, %arg19: memref<16xf32, #tpu.memory_space<vmem_shared>>) attributes {dimension_semantics = [#tpu.dimension_semantics<core_parallel>, #tpu.dimension_semantics<subcore_parallel>], iteration_bounds = array<i64: 1, 16>, scalar_prefetch = 0 : i64, scratch_operands = 15 : i64, tpu.core_type = #tpu.core_type<sc_vector_subcore>, window_params = [{transform_indices = #map}, {transform_indices = #map1}, {transform_indices = #map2}]} {
    %mul3A = arith.constant 576 : i32
    %mul3A_0 = arith.muli %arg1, %mul3A : i32
    %iota3A = tpu.iota {dimensions = array<i32: 0>} : vector<16xi32>
    "tpu.region"() ({
      %run_scoped3A = tpu.sem_alloc : memref<!tpu.dma_semaphore, #tpu.memory_space<semaphore_mem>>
      %dma_start3A = arith.constant 0 : i32
      %dma_start3A_14 = arith.constant 0 : i32
      %dma_start3A_15 = tpu.memref_slice %arg2[%arg1, %dma_start3A, %dma_start3A_14] : memref<16x144x64xf32, #tpu.memory_space<hbm>> -> memref<1x144x64xf32, #tpu.memory_space<hbm>>
      %dma_start3A_16 = tpu.memref_squeeze %dma_start3A_15 : memref<1x144x64xf32, #tpu.memory_space<hbm>> -> memref<144x64xf32, #tpu.memory_space<hbm>>
      %dma_start3A_17 = arith.constant 0 : i32
      %dma_start3A_18 = arith.constant 0 : i32
      %dma_start3A_19 = tpu.memref_slice %arg2[%arg1, %dma_start3A_17, %dma_start3A_18] : memref<16x144x64xf32, #tpu.memory_space<hbm>> -> memref<1x144x64xf32, #tpu.memory_space<hbm>>
      %dma_start3A_20 = tpu.memref_squeeze %dma_start3A_19 : memref<1x144x64xf32, #tpu.memory_space<hbm>> -> memref<144x64xf32, #tpu.memory_space<hbm>>
      tpu.enqueue_dma source(%dma_start3A_20 : memref<144x64xf32, #tpu.memory_space<hbm>>) target(%arg5 : memref<144x64xf32, #tpu.memory_space<vmem>>) target_semaphore(%run_scoped3A : memref<!tpu.dma_semaphore, #tpu.memory_space<semaphore_mem>>)
      %dma_wait3A = arith.constant 0 : i32
      %dma_wait3A_21 = arith.constant 0 : i32
      %dma_wait3A_22 = tpu.memref_slice %arg2[%arg1, %dma_wait3A, %dma_wait3A_21] : memref<16x144x64xf32, #tpu.memory_space<hbm>> -> memref<1x144x64xf32, #tpu.memory_space<hbm>>
      %dma_wait3A_23 = tpu.memref_squeeze %dma_wait3A_22 : memref<1x144x64xf32, #tpu.memory_space<hbm>> -> memref<144x64xf32, #tpu.memory_space<hbm>>
      %dma_wait3A_24 = arith.constant 0 : i32
      %dma_wait3A_25 = arith.constant 0 : i32
      %dma_wait3A_26 = tpu.memref_slice %arg2[%arg1, %dma_wait3A_24, %dma_wait3A_25] : memref<16x144x64xf32, #tpu.memory_space<hbm>> -> memref<1x144x64xf32, #tpu.memory_space<hbm>>
      %dma_wait3A_27 = tpu.memref_squeeze %dma_wait3A_26 : memref<1x144x64xf32, #tpu.memory_space<hbm>> -> memref<144x64xf32, #tpu.memory_space<hbm>>
      tpu.wait_dma2 semaphore(%run_scoped3A : memref<!tpu.dma_semaphore, #tpu.memory_space<semaphore_mem>>) src(%dma_wait3A_27 : memref<144x64xf32, #tpu.memory_space<hbm>>) dst(%arg5 : memref<144x64xf32, #tpu.memory_space<vmem>>)
      tpu.yield
    }) : () -> ()
    %mul3A_1 = arith.constant 2880 : i32
    %mul3A_2 = arith.muli %arg1, %mul3A_1 : i32
    "tpu.region"() ({
      %run_scoped3A = tpu.sem_alloc : memref<!tpu.dma_semaphore, #tpu.memory_space<semaphore_mem>>
      %dma_start3A = tpu.memref_slice %arg3[%mul3A_2] : memref<46080xf32, #tpu.memory_space<hbm>> -> memref<2880xf32, #tpu.memory_space<hbm>>
      %dma_start3A_14 = tpu.memref_slice %arg3[%mul3A_2] : memref<46080xf32, #tpu.memory_space<hbm>> -> memref<2880xf32, #tpu.memory_space<hbm>>
      tpu.enqueue_dma source(%dma_start3A_14 : memref<2880xf32, #tpu.memory_space<hbm>>) target(%arg6 : memref<2880xf32, #tpu.memory_space<vmem>>) target_semaphore(%run_scoped3A : memref<!tpu.dma_semaphore, #tpu.memory_space<semaphore_mem>>)
      %dma_wait3A = tpu.memref_slice %arg3[%mul3A_2] : memref<46080xf32, #tpu.memory_space<hbm>> -> memref<2880xf32, #tpu.memory_space<hbm>>
      %dma_wait3A_15 = tpu.memref_slice %arg3[%mul3A_2] : memref<46080xf32, #tpu.memory_space<hbm>> -> memref<2880xf32, #tpu.memory_space<hbm>>
      tpu.wait_dma2 semaphore(%run_scoped3A : memref<!tpu.dma_semaphore, #tpu.memory_space<semaphore_mem>>) src(%dma_wait3A_15 : memref<2880xf32, #tpu.memory_space<hbm>>) dst(%arg6 : memref<2880xf32, #tpu.memory_space<vmem>>)
      tpu.yield
    }) : () -> ()
    %scan3A = arith.constant 0 : i32
    %scan3A_3 = arith.constant 0 : i32
    %scan3A_4 = arith.constant 36 : i32
    %scan3A_5 = arith.addi %scan3A_3, %scan3A_4 : i32
    %scan3A_6 = arith.constant 1 : i32
    scf.for %scan3A_14 = %scan3A_3 to %scan3A_5 step %scan3A_6  : i32 {
      %mul3A_15 = arith.constant 16 : i32
      %mul3A_16 = arith.muli %scan3A_14, %mul3A_15 : i32
      %shift_right_arithmetic3A = arith.constant 2 : i32
      %shift_right_arithmetic3A_17 = arith.shrsi %scan3A_14, %shift_right_arithmetic3A : i32
      %and3A = arith.constant 3 : i32
      %and3A_18 = arith.andi %scan3A_14, %and3A : i32
      %mul3A_19 = arith.constant 16 : i32
      %mul3A_20 = arith.muli %and3A_18, %mul3A_19 : i32
      %mul3A_21 = arith.constant 8 : i32
      %mul3A_22 = arith.muli %shift_right_arithmetic3A_17, %mul3A_21 : i32
      %get3A = arith.index_cast %mul3A_22 : i32 to index
      %get3A_23 = arith.index_cast %mul3A_20 : i32 to index
      %get3A_24 = tpu.vector_load %arg5[%get3A, %get3A_23] {strides = array<i32>} : memref<144x64xf32, #tpu.memory_space<vmem>>, vector<1x16xf32>,
      %get3A_25 = vector.shape_cast %get3A_24 : vector<1x16xf32> to vector<16xf32>
      %mul3A_26 = arith.constant 8 : i32
      %mul3A_27 = arith.muli %shift_right_arithmetic3A_17, %mul3A_26 : i32
      %add3A = arith.constant 1 : i32
      %add3A_28 = arith.addi %mul3A_27, %add3A : i32
      %get3A_29 = arith.index_cast %add3A_28 : i32 to index
      %get3A_30 = arith.index_cast %mul3A_20 : i32 to index
      %get3A_31 = tpu.vector_load %arg5[%get3A_29, %get3A_30] {strides = array<i32>} : memref<144x64xf32, #tpu.memory_space<vmem>>, vector<1x16xf32>,
      %get3A_32 = vector.shape_cast %get3A_31 : vector<1x16xf32> to vector<16xf32>
      %mul3A_33 = arith.constant 8 : i32
      %mul3A_34 = arith.muli %shift_right_arithmetic3A_17, %mul3A_33 : i32
      %add3A_35 = arith.constant 2 : i32
      %add3A_36 = arith.addi %mul3A_34, %add3A_35 : i32
      %get3A_37 = arith.index_cast %add3A_36 : i32 to index
      %get3A_38 = arith.index_cast %mul3A_20 : i32 to index
      %get3A_39 = tpu.vector_load %arg5[%get3A_37, %get3A_38] {strides = array<i32>} : memref<144x64xf32, #tpu.memory_space<vmem>>, vector<1x16xf32>,
      %get3A_40 = vector.shape_cast %get3A_39 : vector<1x16xf32> to vector<16xf32>
      %mul3A_41 = arith.constant 8 : i32
      %mul3A_42 = arith.muli %shift_right_arithmetic3A_17, %mul3A_41 : i32
      %add3A_43 = arith.constant 3 : i32
      %add3A_44 = arith.addi %mul3A_42, %add3A_43 : i32
      %get3A_45 = arith.index_cast %add3A_44 : i32 to index
      %get3A_46 = arith.index_cast %mul3A_20 : i32 to index
      %get3A_47 = tpu.vector_load %arg5[%get3A_45, %get3A_46] {strides = array<i32>} : memref<144x64xf32, #tpu.memory_space<vmem>>, vector<1x16xf32>,
      %get3A_48 = vector.shape_cast %get3A_47 : vector<1x16xf32> to vector<16xf32>
      %mul3A_49 = arith.constant 16 : i32
      %mul3A_50 = arith.muli %scan3A_14, %mul3A_49 : i32
      %get3A_51 = arith.index_cast %mul3A_50 : i32 to index
      %get3A_52 = tpu.vector_load %arg6[%get3A_51] {strides = array<i32>} : memref<2880xf32, #tpu.memory_space<vmem>>, vector<16xf32>,
      %get3A_53 = vector.shape_cast %get3A_52 : vector<16xf32> to vector<16xf32>
      %mul3A_54 = arith.constant 16 : i32
      %mul3A_55 = arith.muli %scan3A_14, %mul3A_54 : i32
      %add3A_56 = arith.constant 576 : i32
      %add3A_57 = arith.addi %add3A_56, %mul3A_55 : i32
      %get3A_58 = arith.index_cast %add3A_57 : i32 to index
      %get3A_59 = tpu.vector_load %arg6[%get3A_58] {strides = array<i32>} : memref<2880xf32, #tpu.memory_space<vmem>>, vector<16xf32>,
      %get3A_60 = vector.shape_cast %get3A_59 : vector<16xf32> to vector<16xf32>
      %mul3A_61 = arith.constant 16 : i32
      %mul3A_62 = arith.muli %scan3A_14, %mul3A_61 : i32
      %add3A_63 = arith.constant 1152 : i32
      %add3A_64 = arith.addi %add3A_63, %mul3A_62 : i32
      %get3A_65 = arith.index_cast %add3A_64 : i32 to index
      %get3A_66 = tpu.vector_load %arg6[%get3A_65] {strides = array<i32>} : memref<2880xf32, #tpu.memory_space<vmem>>, vector<16xf32>,
      %get3A_67 = vector.shape_cast %get3A_66 : vector<16xf32> to vector<16xf32>
      %mul3A_68 = arith.mulf %get3A_53, %get3A_25 : vector<16xf32>
      %add3A_69 = arith.addf %get3A_67, %mul3A_68 : vector<16xf32>
      %mul3A_70 = arith.constant 16 : i32
      %mul3A_71 = arith.muli %scan3A_14, %mul3A_70 : i32
      %add3A_72 = arith.constant 1728 : i32
      %add3A_73 = arith.addi %add3A_72, %mul3A_71 : i32
      %get3A_74 = arith.index_cast %add3A_73 : i32 to index
      %get3A_75 = tpu.vector_load %arg6[%get3A_74] {strides = array<i32>} : memref<2880xf32, #tpu.memory_space<vmem>>, vector<16xf32>,
      %get3A_76 = vector.shape_cast %get3A_75 : vector<16xf32> to vector<16xf32>
      %mul3A_77 = arith.mulf %get3A_60, %get3A_32 : vector<16xf32>
      %add3A_78 = arith.addf %get3A_76, %mul3A_77 : vector<16xf32>
      %exp3A = math.exp %get3A_40 : vector<16xf32>
      %mul3A_79 = arith.mulf %get3A_53, %exp3A : vector<16xf32>
      %exp3A_80 = math.exp %get3A_48 : vector<16xf32>
      %mul3A_81 = arith.mulf %get3A_60, %exp3A_80 : vector<16xf32>
      %div3A = arith.constant 2.000000e+00 : f32
      %div3A_82 = vector.broadcast %div3A : f32 to vector<16xf32>
      %div3A_83 = arith.divf %mul3A_79, %div3A_82 : vector<16xf32>
      %sub3A = arith.subf %add3A_69, %div3A_83 : vector<16xf32>
      %div3A_84 = arith.constant 2.000000e+00 : f32
      %div3A_85 = vector.broadcast %div3A_84 : f32 to vector<16xf32>
      %div3A_86 = arith.divf %mul3A_81, %div3A_85 : vector<16xf32>
      %sub3A_87 = arith.subf %add3A_78, %div3A_86 : vector<16xf32>
      %jit3A = arith.constant 0.000000e+00 : f32
      %jit3A_88 = arith.constant 5.120000e+02 : f32
      %max3A = vector.broadcast %jit3A : f32 to vector<16xf32>
      %max3A_89 = arith.maximumf %max3A, %sub3A : vector<16xf32>
      %min3A = vector.broadcast %jit3A_88 : f32 to vector<16xf32>
      %min3A_90 = arith.minimumf %min3A, %max3A_89 : vector<16xf32>
      %jit3A_91 = arith.constant 0.000000e+00 : f32
      %jit3A_92 = arith.constant 5.120000e+02 : f32
      %max3A_93 = vector.broadcast %jit3A_91 : f32 to vector<16xf32>
      %max3A_94 = arith.maximumf %max3A_93, %sub3A_87 : vector<16xf32>
      %min3A_95 = vector.broadcast %jit3A_92 : f32 to vector<16xf32>
      %min3A_96 = arith.minimumf %min3A_95, %max3A_94 : vector<16xf32>
      %add3A_97 = arith.addf %sub3A, %mul3A_79 : vector<16xf32>
      %jit3A_98 = arith.constant 0.000000e+00 : f32
      %jit3A_99 = arith.constant 5.120000e+02 : f32
      %max3A_100 = vector.broadcast %jit3A_98 : f32 to vector<16xf32>
      %max3A_101 = arith.maximumf %max3A_100, %add3A_97 : vector<16xf32>
      %min3A_102 = vector.broadcast %jit3A_99 : f32 to vector<16xf32>
      %min3A_103 = arith.minimumf %min3A_102, %max3A_101 : vector<16xf32>
      %add3A_104 = arith.addf %sub3A_87, %mul3A_81 : vector<16xf32>
      %jit3A_105 = arith.constant 0.000000e+00 : f32
      %jit3A_106 = arith.constant 5.120000e+02 : f32
      %max3A_107 = vector.broadcast %jit3A_105 : f32 to vector<16xf32>
      %max3A_108 = arith.maximumf %max3A_107, %add3A_104 : vector<16xf32>
      %min3A_109 = vector.broadcast %jit3A_106 : f32 to vector<16xf32>
      %min3A_110 = arith.minimumf %min3A_109, %max3A_108 : vector<16xf32>
      %swap3A = arith.index_cast %mul3A_16 : i32 to index
      %swap3A_111 = tpu.vector_load %arg7[%swap3A] {strides = array<i32>} : memref<576xf32, #tpu.memory_space<vmem>>, vector<16xf32>,
      %swap3A_112 = vector.shape_cast %swap3A_111 : vector<16xf32> to vector<16xf32>
      %swap3A_113 = vector.shape_cast %min3A_90 : vector<16xf32> to vector<16xf32>
      tpu.vector_store %arg7[%swap3A], %swap3A_113 {strides = array<i32>} : memref<576xf32, #tpu.memory_space<vmem>>, vector<16xf32>,
      %swap3A_114 = arith.index_cast %mul3A_16 : i32 to index
      %swap3A_115 = tpu.vector_load %arg8[%swap3A_114] {strides = array<i32>} : memref<576xf32, #tpu.memory_space<vmem>>, vector<16xf32>,
      %swap3A_116 = vector.shape_cast %swap3A_115 : vector<16xf32> to vector<16xf32>
      %swap3A_117 = vector.shape_cast %min3A_96 : vector<16xf32> to vector<16xf32>
      tpu.vector_store %arg8[%swap3A_114], %swap3A_117 {strides = array<i32>} : memref<576xf32, #tpu.memory_space<vmem>>, vector<16xf32>,
      %swap3A_118 = arith.index_cast %mul3A_16 : i32 to index
      %swap3A_119 = tpu.vector_load %arg9[%swap3A_118] {strides = array<i32>} : memref<576xf32, #tpu.memory_space<vmem>>, vector<16xf32>,
      %swap3A_120 = vector.shape_cast %swap3A_119 : vector<16xf32> to vector<16xf32>
      %swap3A_121 = vector.shape_cast %min3A_103 : vector<16xf32> to vector<16xf32>
      tpu.vector_store %arg9[%swap3A_118], %swap3A_121 {strides = array<i32>} : memref<576xf32, #tpu.memory_space<vmem>>, vector<16xf32>,
      %swap3A_122 = arith.index_cast %mul3A_16 : i32 to index
      %swap3A_123 = tpu.vector_load %arg10[%swap3A_122] {strides = array<i32>} : memref<576xf32, #tpu.memory_space<vmem>>, vector<16xf32>,
      %swap3A_124 = vector.shape_cast %swap3A_123 : vector<16xf32> to vector<16xf32>
      %swap3A_125 = vector.shape_cast %min3A_110 : vector<16xf32> to vector<16xf32>
      tpu.vector_store %arg10[%swap3A_122], %swap3A_125 {strides = array<i32>} : memref<576xf32, #tpu.memory_space<vmem>>, vector<16xf32>,
      %sub3A_126 = arith.subf %min3A_103, %min3A_90 : vector<16xf32>
      %sub3A_127 = arith.subf %min3A_110, %min3A_96 : vector<16xf32>
      %mul3A_128 = arith.mulf %sub3A_126, %sub3A_127 : vector<16xf32>
      %swap3A_129 = arith.index_cast %mul3A_16 : i32 to index
      %swap3A_130 = tpu.vector_load %arg11[%swap3A_129] {strides = array<i32>} : memref<576xf32, #tpu.memory_space<vmem>>, vector<16xf32>,
      %swap3A_131 = vector.shape_cast %swap3A_130 : vector<16xf32> to vector<16xf32>
      %swap3A_132 = vector.shape_cast %mul3A_128 : vector<16xf32> to vector<16xf32>
      tpu.vector_store %arg11[%swap3A_129], %swap3A_132 {strides = array<i32>} : memref<576xf32, #tpu.memory_space<vmem>>, vector<16xf32>,
      %add3A_133 = arith.constant 72 : i32
      %add3A_134 = arith.addi %add3A_133, %shift_right_arithmetic3A_17 : i32
      %get3A_135 = arith.index_cast %add3A_134 : i32 to index
      %get3A_136 = arith.index_cast %mul3A_20 : i32 to index
      %get3A_137 = tpu.vector_load %arg5[%get3A_135, %get3A_136] {strides = array<i32>} : memref<144x64xf32, #tpu.memory_space<vmem>>, vector<1x16xf32>,
      %get3A_138 = vector.shape_cast %get3A_137 : vector<1x16xf32> to vector<16xf32>
      %mul3A_139 = arith.constant 16 : i32
      %mul3A_140 = arith.muli %scan3A_14, %mul3A_139 : i32
      %add3A_141 = arith.constant 2304 : i32
      %add3A_142 = arith.addi %add3A_141, %mul3A_140 : i32
      %get3A_143 = arith.index_cast %add3A_142 : i32 to index
      %get3A_144 = tpu.vector_load %arg6[%get3A_143] {strides = array<i32>} : memref<2880xf32, #tpu.memory_space<vmem>>, vector<16xf32>,
      %get3A_145 = vector.shape_cast %get3A_144 : vector<16xf32> to vector<16xf32>
      %add3A_146 = arith.addf %get3A_138, %get3A_145 : vector<16xf32>
      %swap3A_147 = arith.index_cast %mul3A_16 : i32 to index
      %swap3A_148 = tpu.vector_load %arg12[%swap3A_147] {strides = array<i32>} : memref<576xf32, #tpu.memory_space<vmem>>, vector<16xf32>,
      %swap3A_149 = vector.shape_cast %swap3A_148 : vector<16xf32> to vector<16xf32>
      %swap3A_150 = vector.shape_cast %add3A_146 : vector<16xf32> to vector<16xf32>
      tpu.vector_store %arg12[%swap3A_147], %swap3A_150 {strides = array<i32>} : memref<576xf32, #tpu.memory_space<vmem>>, vector<16xf32>,
    }
    %scan3A_7 = arith.constant 36 : i32
    %scan3A_8 = arith.constant 0 : i32
    %scan3A_9 = arith.constant 0 : i32
    %scan3A_10 = arith.constant 6 : i32
    %scan3A_11 = arith.addi %scan3A_9, %scan3A_10 : i32
    %scan3A_12 = arith.constant 1 : i32
    scf.for %scan3A_14 = %scan3A_9 to %scan3A_11 step %scan3A_12  : i32 {
      %broadcast_in_dim3A = arith.constant 0xFF800000 : f32
      %broadcast_in_dim3A_15 = vector.broadcast %broadcast_in_dim3A : f32 to vector<16xf32>
      %broadcast_in_dim3A_16 = arith.constant 0 : i32
      %broadcast_in_dim3A_17 = vector.broadcast %broadcast_in_dim3A_16 : i32 to vector<16xi32>
      %scan3A_18 = arith.constant 0 : i32
      %scan3A_19 = arith.constant 36 : i32
      %scan3A_20 = arith.addi %scan3A_18, %scan3A_19 : i32
      %scan3A_21 = arith.constant 1 : i32
      %scan3A_22:2 = scf.for %scan3A_299 = %scan3A_18 to %scan3A_20 step %scan3A_21 iter_args(%scan3A_300 = %broadcast_in_dim3A_15, %scan3A_301 = %broadcast_in_dim3A_17) -> (vector<16xf32>, vector<16xi32>)  : i32 {
        %mul3A_302 = arith.constant 16 : i32
        %mul3A_303 = arith.muli %scan3A_299, %mul3A_302 : i32
        %get3A_304 = arith.index_cast %mul3A_303 : i32 to index
        %get3A_305 = tpu.vector_load %arg12[%get3A_304] {strides = array<i32>} : memref<576xf32, #tpu.memory_space<vmem>>, vector<16xf32>,
        %get3A_306 = vector.shape_cast %get3A_305 : vector<16xf32> to vector<16xf32>
        %mul3A_307 = arith.constant 16 : i32
        %mul3A_308 = arith.muli %scan3A_299, %mul3A_307 : i32
        %add3A_309 = arith.addi %mul3A_0, %mul3A_308 : i32
        %add3A_310 = vector.broadcast %add3A_309 : i32 to vector<16xi32>
        %add3A_311 = arith.addi %add3A_310, %iota3A : vector<16xi32>
        %gt3A_312 = arith.cmpf ogt, %get3A_306, %scan3A_300 : vector<16xf32>
        %select_n3A_313 = arith.select %gt3A_312, %get3A_306, %scan3A_300 : vector<16xi1>, vector<16xf32>
        %select_n3A_314 = arith.select %gt3A_312, %add3A_311, %scan3A_301 : vector<16xi1>, vector<16xi32>
        scf.yield %select_n3A_313, %select_n3A_314 : vector<16xf32>, vector<16xi32>
      }
      %scan3A_23 = arith.constant 36 : i32
      %xor3A = arith.constant 8 : i32
      %xor3A_24 = vector.broadcast %xor3A : i32 to vector<16xi32>
      %xor3A_25 = arith.xori %iota3A, %xor3A_24 : vector<16xi32>
      %broadcast_in_dim3A_26 = vector.shape_cast %xor3A_25 : vector<16xi32> to vector<16x1xi32>
      %gather3A = vector.shape_cast %broadcast_in_dim3A_26 : vector<16x1xi32> to vector<16xi32>
      %gather3A_27 = tpu.dynamic_gather %scan3A_22#0[%gather3A] in [0] : vector<16xf32>, vector<16xi32> -> vector<16xf32>
      %broadcast_in_dim3A_28 = vector.shape_cast %xor3A_25 : vector<16xi32> to vector<16x1xi32>
      %gather3A_29 = vector.shape_cast %broadcast_in_dim3A_28 : vector<16x1xi32> to vector<16xi32>
      %gather3A_30 = tpu.dynamic_gather %scan3A_22#1[%gather3A_29] in [0] : vector<16xi32>, vector<16xi32> -> vector<16xi32>
      %gt3A = arith.cmpf ogt, %gather3A_27, %scan3A_22#0 : vector<16xf32>
      %eq3A = arith.cmpf oeq, %gather3A_27, %scan3A_22#0 : vector<16xf32>
      %lt3A = arith.cmpi slt, %gather3A_30, %scan3A_22#1 : vector<16xi32>
      %and3A = arith.andi %eq3A, %lt3A : vector<16xi1>
      %or3A = arith.ori %gt3A, %and3A : vector<16xi1>
      %select_n3A = arith.select %or3A, %gather3A_27, %scan3A_22#0 : vector<16xi1>, vector<16xf32>
      %select_n3A_31 = arith.select %or3A, %gather3A_30, %scan3A_22#1 : vector<16xi1>, vector<16xi32>
      %xor3A_32 = arith.constant 4 : i32
      %xor3A_33 = vector.broadcast %xor3A_32 : i32 to vector<16xi32>
      %xor3A_34 = arith.xori %iota3A, %xor3A_33 : vector<16xi32>
      %broadcast_in_dim3A_35 = vector.shape_cast %xor3A_34 : vector<16xi32> to vector<16x1xi32>
      %gather3A_36 = vector.shape_cast %broadcast_in_dim3A_35 : vector<16x1xi32> to vector<16xi32>
      %gather3A_37 = tpu.dynamic_gather %select_n3A[%gather3A_36] in [0] : vector<16xf32>, vector<16xi32> -> vector<16xf32>
      %broadcast_in_dim3A_38 = vector.shape_cast %xor3A_34 : vector<16xi32> to vector<16x1xi32>
      %gather3A_39 = vector.shape_cast %broadcast_in_dim3A_38 : vector<16x1xi32> to vector<16xi32>
      %gather3A_40 = tpu.dynamic_gather %select_n3A_31[%gather3A_39] in [0] : vector<16xi32>, vector<16xi32> -> vector<16xi32>
      %gt3A_41 = arith.cmpf ogt, %gather3A_37, %select_n3A : vector<16xf32>
      %eq3A_42 = arith.cmpf oeq, %gather3A_37, %select_n3A : vector<16xf32>
      %lt3A_43 = arith.cmpi slt, %gather3A_40, %select_n3A_31 : vector<16xi32>
      %and3A_44 = arith.andi %eq3A_42, %lt3A_43 : vector<16xi1>
      %or3A_45 = arith.ori %gt3A_41, %and3A_44 : vector<16xi1>
      %select_n3A_46 = arith.select %or3A_45, %gather3A_37, %select_n3A : vector<16xi1>, vector<16xf32>
      %select_n3A_47 = arith.select %or3A_45, %gather3A_40, %select_n3A_31 : vector<16xi1>, vector<16xi32>
      %xor3A_48 = arith.constant 2 : i32
      %xor3A_49 = vector.broadcast %xor3A_48 : i32 to vector<16xi32>
      %xor3A_50 = arith.xori %iota3A, %xor3A_49 : vector<16xi32>
      %broadcast_in_dim3A_51 = vector.shape_cast %xor3A_50 : vector<16xi32> to vector<16x1xi32>
      %gather3A_52 = vector.shape_cast %broadcast_in_dim3A_51 : vector<16x1xi32> to vector<16xi32>
      %gather3A_53 = tpu.dynamic_gather %select_n3A_46[%gather3A_52] in [0] : vector<16xf32>, vector<16xi32> -> vector<16xf32>
      %broadcast_in_dim3A_54 = vector.shape_cast %xor3A_50 : vector<16xi32> to vector<16x1xi32>
      %gather3A_55 = vector.shape_cast %broadcast_in_dim3A_54 : vector<16x1xi32> to vector<16xi32>
      %gather3A_56 = tpu.dynamic_gather %select_n3A_47[%gather3A_55] in [0] : vector<16xi32>, vector<16xi32> -> vector<16xi32>
      %gt3A_57 = arith.cmpf ogt, %gather3A_53, %select_n3A_46 : vector<16xf32>
      %eq3A_58 = arith.cmpf oeq, %gather3A_53, %select_n3A_46 : vector<16xf32>
      %lt3A_59 = arith.cmpi slt, %gather3A_56, %select_n3A_47 : vector<16xi32>
      %and3A_60 = arith.andi %eq3A_58, %lt3A_59 : vector<16xi1>
      %or3A_61 = arith.ori %gt3A_57, %and3A_60 : vector<16xi1>
      %select_n3A_62 = arith.select %or3A_61, %gather3A_53, %select_n3A_46 : vector<16xi1>, vector<16xf32>
      %select_n3A_63 = arith.select %or3A_61, %gather3A_56, %select_n3A_47 : vector<16xi1>, vector<16xi32>
      %xor3A_64 = arith.constant 1 : i32
      %xor3A_65 = vector.broadcast %xor3A_64 : i32 to vector<16xi32>
      %xor3A_66 = arith.xori %iota3A, %xor3A_65 : vector<16xi32>
      %broadcast_in_dim3A_67 = vector.shape_cast %xor3A_66 : vector<16xi32> to vector<16x1xi32>
      %gather3A_68 = vector.shape_cast %broadcast_in_dim3A_67 : vector<16x1xi32> to vector<16xi32>
      %gather3A_69 = tpu.dynamic_gather %select_n3A_62[%gather3A_68] in [0] : vector<16xf32>, vector<16xi32> -> vector<16xf32>
      %broadcast_in_dim3A_70 = vector.shape_cast %xor3A_66 : vector<16xi32> to vector<16x1xi32>
      %gather3A_71 = vector.shape_cast %broadcast_in_dim3A_70 : vector<16x1xi32> to vector<16xi32>
      %gather3A_72 = tpu.dynamic_gather %select_n3A_63[%gather3A_71] in [0] : vector<16xi32>, vector<16xi32> -> vector<16xi32>
      %gt3A_73 = arith.cmpf ogt, %gather3A_69, %select_n3A_62 : vector<16xf32>
      %eq3A_74 = arith.cmpf oeq, %gather3A_69, %select_n3A_62 : vector<16xf32>
      %lt3A_75 = arith.cmpi slt, %gather3A_72, %select_n3A_63 : vector<16xi32>
      %and3A_76 = arith.andi %eq3A_74, %lt3A_75 : vector<16xi1>
      %or3A_77 = arith.ori %gt3A_73, %and3A_76 : vector<16xi1>
      %select_n3A_78 = arith.select %or3A_77, %gather3A_69, %select_n3A_62 : vector<16xi1>, vector<16xf32>
      %select_n3A_79 = arith.select %or3A_77, %gather3A_72, %select_n3A_63 : vector<16xi1>, vector<16xi32>
      %swap3A = arith.constant 0 : index
      %swap3A_80 = tpu.vector_load %arg13[%swap3A] {strides = array<i32>} : memref<16xf32, #tpu.memory_space<vmem>>, vector<16xf32>,
      %swap3A_81 = vector.shape_cast %swap3A_80 : vector<16xf32> to vector<16xf32>
      %swap3A_82 = vector.shape_cast %select_n3A_78 : vector<16xf32> to vector<16xf32>
      tpu.vector_store %arg13[%swap3A], %swap3A_82 {strides = array<i32>} : memref<16xf32, #tpu.memory_space<vmem>>, vector<16xf32>,
      %mul3A_83 = arith.constant 16 : i32
      %mul3A_84 = arith.muli %arg1, %mul3A_83 : i32
      "tpu.region"() ({
        %run_scoped3A = tpu.sem_alloc : memref<!tpu.dma_semaphore, #tpu.memory_space<semaphore_mem>>
        %dma_start3A = tpu.memref_slice %arg17[%mul3A_84] : memref<256xf32, #tpu.memory_space<vmem_shared>> -> memref<16xf32, #tpu.memory_space<vmem_shared>>
        %dma_start3A_299 = tpu.memref_slice %arg17[%mul3A_84] : memref<256xf32, #tpu.memory_space<vmem_shared>> -> memref<16xf32, #tpu.memory_space<vmem_shared>>
        tpu.enqueue_dma source(%arg13 : memref<16xf32, #tpu.memory_space<vmem>>) target(%dma_start3A_299 : memref<16xf32, #tpu.memory_space<vmem_shared>>) target_semaphore(%run_scoped3A : memref<!tpu.dma_semaphore, #tpu.memory_space<semaphore_mem>>)
        %dma_wait3A = tpu.memref_slice %arg17[%mul3A_84] : memref<256xf32, #tpu.memory_space<vmem_shared>> -> memref<16xf32, #tpu.memory_space<vmem_shared>>
        %dma_wait3A_300 = tpu.memref_slice %arg17[%mul3A_84] : memref<256xf32, #tpu.memory_space<vmem_shared>> -> memref<16xf32, #tpu.memory_space<vmem_shared>>
        tpu.wait_dma2 semaphore(%run_scoped3A : memref<!tpu.dma_semaphore, #tpu.memory_space<semaphore_mem>>) src(%arg13 : memref<16xf32, #tpu.memory_space<vmem>>) dst(%dma_wait3A_300 : memref<16xf32, #tpu.memory_space<vmem_shared>>)
        tpu.yield
      }) : () -> ()
      %swap3A_85 = arith.constant 0 : index
      %swap3A_86 = tpu.vector_load %arg14[%swap3A_85] {strides = array<i32>} : memref<16xi32, #tpu.memory_space<vmem>>, vector<16xi32>,
      %swap3A_87 = vector.shape_cast %swap3A_86 : vector<16xi32> to vector<16xi32>
      %swap3A_88 = vector.shape_cast %select_n3A_79 : vector<16xi32> to vector<16xi32>
      tpu.vector_store %arg14[%swap3A_85], %swap3A_88 {strides = array<i32>} : memref<16xi32, #tpu.memory_space<vmem>>, vector<16xi32>,
      %mul3A_89 = arith.constant 16 : i32
      %mul3A_90 = arith.muli %arg1, %mul3A_89 : i32
      "tpu.region"() ({
        %run_scoped3A = tpu.sem_alloc : memref<!tpu.dma_semaphore, #tpu.memory_space<semaphore_mem>>
        %dma_start3A = tpu.memref_slice %arg18[%mul3A_90] : memref<256xi32, #tpu.memory_space<vmem_shared>> -> memref<16xi32, #tpu.memory_space<vmem_shared>>
        %dma_start3A_299 = tpu.memref_slice %arg18[%mul3A_90] : memref<256xi32, #tpu.memory_space<vmem_shared>> -> memref<16xi32, #tpu.memory_space<vmem_shared>>
        tpu.enqueue_dma source(%arg14 : memref<16xi32, #tpu.memory_space<vmem>>) target(%dma_start3A_299 : memref<16xi32, #tpu.memory_space<vmem_shared>>) target_semaphore(%run_scoped3A : memref<!tpu.dma_semaphore, #tpu.memory_space<semaphore_mem>>)
        %dma_wait3A = tpu.memref_slice %arg18[%mul3A_90] : memref<256xi32, #tpu.memory_space<vmem_shared>> -> memref<16xi32, #tpu.memory_space<vmem_shared>>
        %dma_wait3A_300 = tpu.memref_slice %arg18[%mul3A_90] : memref<256xi32, #tpu.memory_space<vmem_shared>> -> memref<16xi32, #tpu.memory_space<vmem_shared>>
        tpu.wait_dma2 semaphore(%run_scoped3A : memref<!tpu.dma_semaphore, #tpu.memory_space<semaphore_mem>>) src(%arg14 : memref<16xi32, #tpu.memory_space<vmem>>) dst(%dma_wait3A_300 : memref<16xi32, #tpu.memory_space<vmem_shared>>)
        tpu.yield
      }) : () -> ()
      %barrier3A = arith.constant 0 : index
      tpu.barrier barrier_id(%barrier3A)
      "tpu.region"() ({
        %run_scoped3A = tpu.sem_alloc : memref<!tpu.dma_semaphore, #tpu.memory_space<semaphore_mem>>
        tpu.enqueue_dma source(%arg17 : memref<256xf32, #tpu.memory_space<vmem_shared>>) target(%arg15 : memref<256xf32, #tpu.memory_space<vmem>>) target_semaphore(%run_scoped3A : memref<!tpu.dma_semaphore, #tpu.memory_space<semaphore_mem>>)
        tpu.wait_dma2 semaphore(%run_scoped3A : memref<!tpu.dma_semaphore, #tpu.memory_space<semaphore_mem>>) src(%arg17 : memref<256xf32, #tpu.memory_space<vmem_shared>>) dst(%arg15 : memref<256xf32, #tpu.memory_space<vmem>>)
        tpu.yield
      }) : () -> ()
      "tpu.region"() ({
        %run_scoped3A = tpu.sem_alloc : memref<!tpu.dma_semaphore, #tpu.memory_space<semaphore_mem>>
        tpu.enqueue_dma source(%arg18 : memref<256xi32, #tpu.memory_space<vmem_shared>>) target(%arg16 : memref<256xi32, #tpu.memory_space<vmem>>) target_semaphore(%run_scoped3A : memref<!tpu.dma_semaphore, #tpu.memory_space<semaphore_mem>>)
        tpu.wait_dma2 semaphore(%run_scoped3A : memref<!tpu.dma_semaphore, #tpu.memory_space<semaphore_mem>>) src(%arg18 : memref<256xi32, #tpu.memory_space<vmem_shared>>) dst(%arg16 : memref<256xi32, #tpu.memory_space<vmem>>)
        tpu.yield
      }) : () -> ()
      %broadcast_in_dim3A_91 = arith.constant 0xFF800000 : f32
      %broadcast_in_dim3A_92 = vector.broadcast %broadcast_in_dim3A_91 : f32 to vector<16xf32>
      %broadcast_in_dim3A_93 = arith.constant 0 : i32
      %broadcast_in_dim3A_94 = vector.broadcast %broadcast_in_dim3A_93 : i32 to vector<16xi32>
      %get3A = arith.constant 0 : index
      %get3A_95 = tpu.vector_load %arg15[%get3A] {strides = array<i32>} : memref<256xf32, #tpu.memory_space<vmem>>, vector<16xf32>,
      %get3A_96 = vector.shape_cast %get3A_95 : vector<16xf32> to vector<16xf32>
      %get3A_97 = arith.constant 0 : index
      %get3A_98 = tpu.vector_load %arg16[%get3A_97] {strides = array<i32>} : memref<256xi32, #tpu.memory_space<vmem>>, vector<16xi32>,
      %get3A_99 = vector.shape_cast %get3A_98 : vector<16xi32> to vector<16xi32>
      %gt3A_100 = arith.cmpf ogt, %get3A_96, %broadcast_in_dim3A_92 : vector<16xf32>
      %select_n3A_101 = arith.select %gt3A_100, %get3A_96, %broadcast_in_dim3A_92 : vector<16xi1>, vector<16xf32>
      %select_n3A_102 = arith.select %gt3A_100, %get3A_99, %broadcast_in_dim3A_94 : vector<16xi1>, vector<16xi32>
      %get3A_103 = arith.constant 16 : index
      %get3A_104 = tpu.vector_load %arg15[%get3A_103] {strides = array<i32>} : memref<256xf32, #tpu.memory_space<vmem>>, vector<16xf32>,
      %get3A_105 = vector.shape_cast %get3A_104 : vector<16xf32> to vector<16xf32>
      %get3A_106 = arith.constant 16 : index
      %get3A_107 = tpu.vector_load %arg16[%get3A_106] {strides = array<i32>} : memref<256xi32, #tpu.memory_space<vmem>>, vector<16xi32>,
      %get3A_108 = vector.shape_cast %get3A_107 : vector<16xi32> to vector<16xi32>
      %gt3A_109 = arith.cmpf ogt, %get3A_105, %select_n3A_101 : vector<16xf32>
      %select_n3A_110 = arith.select %gt3A_109, %get3A_105, %select_n3A_101 : vector<16xi1>, vector<16xf32>
      %select_n3A_111 = arith.select %gt3A_109, %get3A_108, %select_n3A_102 : vector<16xi1>, vector<16xi32>
      %get3A_112 = arith.constant 32 : index
      %get3A_113 = tpu.vector_load %arg15[%get3A_112] {strides = array<i32>} : memref<256xf32, #tpu.memory_space<vmem>>, vector<16xf32>,
      %get3A_114 = vector.shape_cast %get3A_113 : vector<16xf32> to vector<16xf32>
      %get3A_115 = arith.constant 32 : index
      %get3A_116 = tpu.vector_load %arg16[%get3A_115] {strides = array<i32>} : memref<256xi32, #tpu.memory_space<vmem>>, vector<16xi32>,
      %get3A_117 = vector.shape_cast %get3A_116 : vector<16xi32> to vector<16xi32>
      %gt3A_118 = arith.cmpf ogt, %get3A_114, %select_n3A_110 : vector<16xf32>
      %select_n3A_119 = arith.select %gt3A_118, %get3A_114, %select_n3A_110 : vector<16xi1>, vector<16xf32>
      %select_n3A_120 = arith.select %gt3A_118, %get3A_117, %select_n3A_111 : vector<16xi1>, vector<16xi32>
      %get3A_121 = arith.constant 48 : index
      %get3A_122 = tpu.vector_load %arg15[%get3A_121] {strides = array<i32>} : memref<256xf32, #tpu.memory_space<vmem>>, vector<16xf32>,
      %get3A_123 = vector.shape_cast %get3A_122 : vector<16xf32> to vector<16xf32>
      %get3A_124 = arith.constant 48 : index
      %get3A_125 = tpu.vector_load %arg16[%get3A_124] {strides = array<i32>} : memref<256xi32, #tpu.memory_space<vmem>>, vector<16xi32>,
      %get3A_126 = vector.shape_cast %get3A_125 : vector<16xi32> to vector<16xi32>
      %gt3A_127 = arith.cmpf ogt, %get3A_123, %select_n3A_119 : vector<16xf32>
      %select_n3A_128 = arith.select %gt3A_127, %get3A_123, %select_n3A_119 : vector<16xi1>, vector<16xf32>
      %select_n3A_129 = arith.select %gt3A_127, %get3A_126, %select_n3A_120 : vector<16xi1>, vector<16xi32>
      %get3A_130 = arith.constant 64 : index
      %get3A_131 = tpu.vector_load %arg15[%get3A_130] {strides = array<i32>} : memref<256xf32, #tpu.memory_space<vmem>>, vector<16xf32>,
      %get3A_132 = vector.shape_cast %get3A_131 : vector<16xf32> to vector<16xf32>
      %get3A_133 = arith.constant 64 : index
      %get3A_134 = tpu.vector_load %arg16[%get3A_133] {strides = array<i32>} : memref<256xi32, #tpu.memory_space<vmem>>, vector<16xi32>,
      %get3A_135 = vector.shape_cast %get3A_134 : vector<16xi32> to vector<16xi32>
      %gt3A_136 = arith.cmpf ogt, %get3A_132, %select_n3A_128 : vector<16xf32>
      %select_n3A_137 = arith.select %gt3A_136, %get3A_132, %select_n3A_128 : vector<16xi1>, vector<16xf32>
      %select_n3A_138 = arith.select %gt3A_136, %get3A_135, %select_n3A_129 : vector<16xi1>, vector<16xi32>
      %get3A_139 = arith.constant 80 : index
      %get3A_140 = tpu.vector_load %arg15[%get3A_139] {strides = array<i32>} : memref<256xf32, #tpu.memory_space<vmem>>, vector<16xf32>,
      %get3A_141 = vector.shape_cast %get3A_140 : vector<16xf32> to vector<16xf32>
      %get3A_142 = arith.constant 80 : index
      %get3A_143 = tpu.vector_load %arg16[%get3A_142] {strides = array<i32>} : memref<256xi32, #tpu.memory_space<vmem>>, vector<16xi32>,
      %get3A_144 = vector.shape_cast %get3A_143 : vector<16xi32> to vector<16xi32>
      %gt3A_145 = arith.cmpf ogt, %get3A_141, %select_n3A_137 : vector<16xf32>
      %select_n3A_146 = arith.select %gt3A_145, %get3A_141, %select_n3A_137 : vector<16xi1>, vector<16xf32>
      %select_n3A_147 = arith.select %gt3A_145, %get3A_144, %select_n3A_138 : vector<16xi1>, vector<16xi32>
      %get3A_148 = arith.constant 96 : index
      %get3A_149 = tpu.vector_load %arg15[%get3A_148] {strides = array<i32>} : memref<256xf32, #tpu.memory_space<vmem>>, vector<16xf32>,
      %get3A_150 = vector.shape_cast %get3A_149 : vector<16xf32> to vector<16xf32>
      %get3A_151 = arith.constant 96 : index
      %get3A_152 = tpu.vector_load %arg16[%get3A_151] {strides = array<i32>} : memref<256xi32, #tpu.memory_space<vmem>>, vector<16xi32>,
      %get3A_153 = vector.shape_cast %get3A_152 : vector<16xi32> to vector<16xi32>
      %gt3A_154 = arith.cmpf ogt, %get3A_150, %select_n3A_146 : vector<16xf32>
      %select_n3A_155 = arith.select %gt3A_154, %get3A_150, %select_n3A_146 : vector<16xi1>, vector<16xf32>
      %select_n3A_156 = arith.select %gt3A_154, %get3A_153, %select_n3A_147 : vector<16xi1>, vector<16xi32>
      %get3A_157 = arith.constant 112 : index
      %get3A_158 = tpu.vector_load %arg15[%get3A_157] {strides = array<i32>} : memref<256xf32, #tpu.memory_space<vmem>>, vector<16xf32>,
      %get3A_159 = vector.shape_cast %get3A_158 : vector<16xf32> to vector<16xf32>
      %get3A_160 = arith.constant 112 : index
      %get3A_161 = tpu.vector_load %arg16[%get3A_160] {strides = array<i32>} : memref<256xi32, #tpu.memory_space<vmem>>, vector<16xi32>,
      %get3A_162 = vector.shape_cast %get3A_161 : vector<16xi32> to vector<16xi32>
      %gt3A_163 = arith.cmpf ogt, %get3A_159, %select_n3A_155 : vector<16xf32>
      %select_n3A_164 = arith.select %gt3A_163, %get3A_159, %select_n3A_155 : vector<16xi1>, vector<16xf32>
      %select_n3A_165 = arith.select %gt3A_163, %get3A_162, %select_n3A_156 : vector<16xi1>, vector<16xi32>
      %get3A_166 = arith.constant 128 : index
      %get3A_167 = tpu.vector_load %arg15[%get3A_166] {strides = array<i32>} : memref<256xf32, #tpu.memory_space<vmem>>, vector<16xf32>,
      %get3A_168 = vector.shape_cast %get3A_167 : vector<16xf32> to vector<16xf32>
      %get3A_169 = arith.constant 128 : index
      %get3A_170 = tpu.vector_load %arg16[%get3A_169] {strides = array<i32>} : memref<256xi32, #tpu.memory_space<vmem>>, vector<16xi32>,
      %get3A_171 = vector.shape_cast %get3A_170 : vector<16xi32> to vector<16xi32>
      %gt3A_172 = arith.cmpf ogt, %get3A_168, %select_n3A_164 : vector<16xf32>
      %select_n3A_173 = arith.select %gt3A_172, %get3A_168, %select_n3A_164 : vector<16xi1>, vector<16xf32>
      %select_n3A_174 = arith.select %gt3A_172, %get3A_171, %select_n3A_165 : vector<16xi1>, vector<16xi32>
      %get3A_175 = arith.constant 144 : index
      %get3A_176 = tpu.vector_load %arg15[%get3A_175] {strides = array<i32>} : memref<256xf32, #tpu.memory_space<vmem>>, vector<16xf32>,
      %get3A_177 = vector.shape_cast %get3A_176 : vector<16xf32> to vector<16xf32>
      %get3A_178 = arith.constant 144 : index
      %get3A_179 = tpu.vector_load %arg16[%get3A_178] {strides = array<i32>} : memref<256xi32, #tpu.memory_space<vmem>>, vector<16xi32>,
      %get3A_180 = vector.shape_cast %get3A_179 : vector<16xi32> to vector<16xi32>
      %gt3A_181 = arith.cmpf ogt, %get3A_177, %select_n3A_173 : vector<16xf32>
      %select_n3A_182 = arith.select %gt3A_181, %get3A_177, %select_n3A_173 : vector<16xi1>, vector<16xf32>
      %select_n3A_183 = arith.select %gt3A_181, %get3A_180, %select_n3A_174 : vector<16xi1>, vector<16xi32>
      %get3A_184 = arith.constant 160 : index
      %get3A_185 = tpu.vector_load %arg15[%get3A_184] {strides = array<i32>} : memref<256xf32, #tpu.memory_space<vmem>>, vector<16xf32>,
      %get3A_186 = vector.shape_cast %get3A_185 : vector<16xf32> to vector<16xf32>
      %get3A_187 = arith.constant 160 : index
      %get3A_188 = tpu.vector_load %arg16[%get3A_187] {strides = array<i32>} : memref<256xi32, #tpu.memory_space<vmem>>, vector<16xi32>,
      %get3A_189 = vector.shape_cast %get3A_188 : vector<16xi32> to vector<16xi32>
      %gt3A_190 = arith.cmpf ogt, %get3A_186, %select_n3A_182 : vector<16xf32>
      %select_n3A_191 = arith.select %gt3A_190, %get3A_186, %select_n3A_182 : vector<16xi1>, vector<16xf32>
      %select_n3A_192 = arith.select %gt3A_190, %get3A_189, %select_n3A_183 : vector<16xi1>, vector<16xi32>
      %get3A_193 = arith.constant 176 : index
      %get3A_194 = tpu.vector_load %arg15[%get3A_193] {strides = array<i32>} : memref<256xf32, #tpu.memory_space<vmem>>, vector<16xf32>,
      %get3A_195 = vector.shape_cast %get3A_194 : vector<16xf32> to vector<16xf32>
      %get3A_196 = arith.constant 176 : index
      %get3A_197 = tpu.vector_load %arg16[%get3A_196] {strides = array<i32>} : memref<256xi32, #tpu.memory_space<vmem>>, vector<16xi32>,
      %get3A_198 = vector.shape_cast %get3A_197 : vector<16xi32> to vector<16xi32>
      %gt3A_199 = arith.cmpf ogt, %get3A_195, %select_n3A_191 : vector<16xf32>
      %select_n3A_200 = arith.select %gt3A_199, %get3A_195, %select_n3A_191 : vector<16xi1>, vector<16xf32>
      %select_n3A_201 = arith.select %gt3A_199, %get3A_198, %select_n3A_192 : vector<16xi1>, vector<16xi32>
      %get3A_202 = arith.constant 192 : index
      %get3A_203 = tpu.vector_load %arg15[%get3A_202] {strides = array<i32>} : memref<256xf32, #tpu.memory_space<vmem>>, vector<16xf32>,
      %get3A_204 = vector.shape_cast %get3A_203 : vector<16xf32> to vector<16xf32>
      %get3A_205 = arith.constant 192 : index
      %get3A_206 = tpu.vector_load %arg16[%get3A_205] {strides = array<i32>} : memref<256xi32, #tpu.memory_space<vmem>>, vector<16xi32>,
      %get3A_207 = vector.shape_cast %get3A_206 : vector<16xi32> to vector<16xi32>
      %gt3A_208 = arith.cmpf ogt, %get3A_204, %select_n3A_200 : vector<16xf32>
      %select_n3A_209 = arith.select %gt3A_208, %get3A_204, %select_n3A_200 : vector<16xi1>, vector<16xf32>
      %select_n3A_210 = arith.select %gt3A_208, %get3A_207, %select_n3A_201 : vector<16xi1>, vector<16xi32>
      %get3A_211 = arith.constant 208 : index
      %get3A_212 = tpu.vector_load %arg15[%get3A_211] {strides = array<i32>} : memref<256xf32, #tpu.memory_space<vmem>>, vector<16xf32>,
      %get3A_213 = vector.shape_cast %get3A_212 : vector<16xf32> to vector<16xf32>
      %get3A_214 = arith.constant 208 : index
      %get3A_215 = tpu.vector_load %arg16[%get3A_214] {strides = array<i32>} : memref<256xi32, #tpu.memory_space<vmem>>, vector<16xi32>,
      %get3A_216 = vector.shape_cast %get3A_215 : vector<16xi32> to vector<16xi32>
      %gt3A_217 = arith.cmpf ogt, %get3A_213, %select_n3A_209 : vector<16xf32>
      %select_n3A_218 = arith.select %gt3A_217, %get3A_213, %select_n3A_209 : vector<16xi1>, vector<16xf32>
      %select_n3A_219 = arith.select %gt3A_217, %get3A_216, %select_n3A_210 : vector<16xi1>, vector<16xi32>
      %get3A_220 = arith.constant 224 : index
      %get3A_221 = tpu.vector_load %arg15[%get3A_220] {strides = array<i32>} : memref<256xf32, #tpu.memory_space<vmem>>, vector<16xf32>,
      %get3A_222 = vector.shape_cast %get3A_221 : vector<16xf32> to vector<16xf32>
      %get3A_223 = arith.constant 224 : index
      %get3A_224 = tpu.vector_load %arg16[%get3A_223] {strides = array<i32>} : memref<256xi32, #tpu.memory_space<vmem>>, vector<16xi32>,
      %get3A_225 = vector.shape_cast %get3A_224 : vector<16xi32> to vector<16xi32>
      %gt3A_226 = arith.cmpf ogt, %get3A_222, %select_n3A_218 : vector<16xf32>
      %select_n3A_227 = arith.select %gt3A_226, %get3A_222, %select_n3A_218 : vector<16xi1>, vector<16xf32>
      %select_n3A_228 = arith.select %gt3A_226, %get3A_225, %select_n3A_219 : vector<16xi1>, vector<16xi32>
      %get3A_229 = arith.constant 240 : index
      %get3A_230 = tpu.vector_load %arg15[%get3A_229] {strides = array<i32>} : memref<256xf32, #tpu.memory_space<vmem>>, vector<16xf32>,
      %get3A_231 = vector.shape_cast %get3A_230 : vector<16xf32> to vector<16xf32>
      %get3A_232 = arith.constant 240 : index
      %get3A_233 = tpu.vector_load %arg16[%get3A_232] {strides = array<i32>} : memref<256xi32, #tpu.memory_space<vmem>>, vector<16xi32>,
      %get3A_234 = vector.shape_cast %get3A_233 : vector<16xi32> to vector<16xi32>
      %gt3A_235 = arith.cmpf ogt, %get3A_231, %select_n3A_227 : vector<16xf32>
      %select_n3A_236 = arith.select %gt3A_235, %get3A_231, %select_n3A_227 : vector<16xi1>, vector<16xf32>
      %select_n3A_237 = arith.select %gt3A_235, %get3A_234, %select_n3A_228 : vector<16xi1>, vector<16xi32>
      %slice3A = vector.extract_strided_slice %select_n3A_237 {offsets = [0], sizes = [1], strides = [1]} : vector<16xi32> to vector<1xi32>
      %squeeze3A = vector.extract %slice3A[0] : i32 from vector<1xi32>
      %jit3A = arith.constant 576 : i32
      %div3A = arith.divsi %squeeze3A, %jit3A : i32
      %sign3A = arith.constant 0 : i32
      %sign3A_238 = arith.cmpi sgt, %squeeze3A, %sign3A : i32
      %sign3A_239 = arith.extui %sign3A_238 : i1 to i32
      %sign3A_240 = arith.constant 0 : i32
      %sign3A_241 = arith.cmpi slt, %squeeze3A, %sign3A_240 : i32
      %sign3A_242 = arith.extui %sign3A_241 : i1 to i32
      %sign3A_243 = arith.subi %sign3A_239, %sign3A_242 : i32
      %sign3A_244 = arith.constant 0 : i32
      %sign3A_245 = arith.cmpi sgt, %jit3A, %sign3A_244 : i32
      %sign3A_246 = arith.extui %sign3A_245 : i1 to i32
      %sign3A_247 = arith.constant 0 : i32
      %sign3A_248 = arith.cmpi slt, %jit3A, %sign3A_247 : i32
      %sign3A_249 = arith.extui %sign3A_248 : i1 to i32
      %sign3A_250 = arith.subi %sign3A_246, %sign3A_249 : i32
      %ne3A = arith.cmpi ne, %sign3A_243, %sign3A_250 : i32
      %rem3A = arith.remsi %squeeze3A, %jit3A : i32
      %ne3A_251 = arith.constant 0 : i32
      %ne3A_252 = arith.cmpi ne, %rem3A, %ne3A_251 : i32
      %and3A_253 = arith.andi %ne3A, %ne3A_252 : i1
      %sub3A = arith.constant 1 : i32
      %sub3A_254 = arith.subi %div3A, %sub3A : i32
      %select_n3A_255 = arith.select %and3A_253, %sub3A_254, %div3A : i32
      %mul3A_256 = arith.constant 576 : i32
      %mul3A_257 = arith.muli %select_n3A_255, %mul3A_256 : i32
      %sub3A_258 = arith.subi %squeeze3A, %mul3A_257 : i32
      %eq3A_259 = arith.cmpi eq, %select_n3A_255, %arg1 : i32
      %convert_element_type3A = arith.extui %eq3A_259 : i1 to i32
      %cond3A = arith.constant 0 : i32
      %cond3A_260 = arith.cmpi ne, %convert_element_type3A, %cond3A : i32
      scf.if %cond3A_260 {
        %jit3A_299 = arith.constant 16 : i32
        %div3A_300 = arith.divsi %sub3A_258, %jit3A_299 : i32
        %sign3A_301 = arith.constant 0 : i32
        %sign3A_302 = arith.cmpi sgt, %sub3A_258, %sign3A_301 : i32
        %sign3A_303 = arith.extui %sign3A_302 : i1 to i32
        %sign3A_304 = arith.constant 0 : i32
        %sign3A_305 = arith.cmpi slt, %sub3A_258, %sign3A_304 : i32
        %sign3A_306 = arith.extui %sign3A_305 : i1 to i32
        %sign3A_307 = arith.subi %sign3A_303, %sign3A_306 : i32
        %sign3A_308 = arith.constant 0 : i32
        %sign3A_309 = arith.cmpi sgt, %jit3A_299, %sign3A_308 : i32
        %sign3A_310 = arith.extui %sign3A_309 : i1 to i32
        %sign3A_311 = arith.constant 0 : i32
        %sign3A_312 = arith.cmpi slt, %jit3A_299, %sign3A_311 : i32
        %sign3A_313 = arith.extui %sign3A_312 : i1 to i32
        %sign3A_314 = arith.subi %sign3A_310, %sign3A_313 : i32
        %ne3A_315 = arith.cmpi ne, %sign3A_307, %sign3A_314 : i32
        %rem3A_316 = arith.remsi %sub3A_258, %jit3A_299 : i32
        %ne3A_317 = arith.constant 0 : i32
        %ne3A_318 = arith.cmpi ne, %rem3A_316, %ne3A_317 : i32
        %and3A_319 = arith.andi %ne3A_315, %ne3A_318 : i1
        %sub3A_320 = arith.constant 1 : i32
        %sub3A_321 = arith.subi %div3A_300, %sub3A_320 : i32
        %select_n3A_322 = arith.select %and3A_319, %sub3A_321, %div3A_300 : i32
        %mul3A_323 = arith.constant 16 : i32
        %mul3A_324 = arith.muli %select_n3A_322, %mul3A_323 : i32
        %sub3A_325 = arith.subi %sub3A_258, %mul3A_324 : i32
        %broadcast_in_dim3A_326 = vector.broadcast %sub3A_325 : i32 to vector<16xi32>
        %get3A_327 = arith.index_cast %mul3A_324 : i32 to index
        %get3A_328 = tpu.vector_load %arg7[%get3A_327] {strides = array<i32>} : memref<576xf32, #tpu.memory_space<vmem>>, vector<16xf32>,
        %get3A_329 = vector.shape_cast %get3A_328 : vector<16xf32> to vector<16xf32>
        %broadcast_in_dim3A_330 = vector.shape_cast %broadcast_in_dim3A_326 : vector<16xi32> to vector<16x1xi32>
        %gather3A_331 = vector.shape_cast %broadcast_in_dim3A_330 : vector<16x1xi32> to vector<16xi32>
        %gather3A_332 = tpu.dynamic_gather %get3A_329[%gather3A_331] in [0] : vector<16xf32>, vector<16xi32> -> vector<16xf32>
        %get3A_333 = arith.index_cast %mul3A_324 : i32 to index
        %get3A_334 = tpu.vector_load %arg8[%get3A_333] {strides = array<i32>} : memref<576xf32, #tpu.memory_space<vmem>>, vector<16xf32>,
        %get3A_335 = vector.shape_cast %get3A_334 : vector<16xf32> to vector<16xf32>
        %broadcast_in_dim3A_336 = vector.shape_cast %broadcast_in_dim3A_326 : vector<16xi32> to vector<16x1xi32>
        %gather3A_337 = vector.shape_cast %broadcast_in_dim3A_336 : vector<16x1xi32> to vector<16xi32>
        %gather3A_338 = tpu.dynamic_gather %get3A_335[%gather3A_337] in [0] : vector<16xf32>, vector<16xi32> -> vector<16xf32>
        %get3A_339 = arith.index_cast %mul3A_324 : i32 to index
        %get3A_340 = tpu.vector_load %arg9[%get3A_339] {strides = array<i32>} : memref<576xf32, #tpu.memory_space<vmem>>, vector<16xf32>,
        %get3A_341 = vector.shape_cast %get3A_340 : vector<16xf32> to vector<16xf32>
        %broadcast_in_dim3A_342 = vector.shape_cast %broadcast_in_dim3A_326 : vector<16xi32> to vector<16x1xi32>
        %gather3A_343 = vector.shape_cast %broadcast_in_dim3A_342 : vector<16x1xi32> to vector<16xi32>
        %gather3A_344 = tpu.dynamic_gather %get3A_341[%gather3A_343] in [0] : vector<16xf32>, vector<16xi32> -> vector<16xf32>
        %get3A_345 = arith.index_cast %mul3A_324 : i32 to index
        %get3A_346 = tpu.vector_load %arg10[%get3A_345] {strides = array<i32>} : memref<576xf32, #tpu.memory_space<vmem>>, vector<16xf32>,
        %get3A_347 = vector.shape_cast %get3A_346 : vector<16xf32> to vector<16xf32>
        %broadcast_in_dim3A_348 = vector.shape_cast %broadcast_in_dim3A_326 : vector<16xi32> to vector<16x1xi32>
        %gather3A_349 = vector.shape_cast %broadcast_in_dim3A_348 : vector<16x1xi32> to vector<16xi32>
        %gather3A_350 = tpu.dynamic_gather %get3A_347[%gather3A_349] in [0] : vector<16xf32>, vector<16xi32> -> vector<16xf32>
        %get3A_351 = arith.index_cast %mul3A_324 : i32 to index
        %get3A_352 = tpu.vector_load %arg11[%get3A_351] {strides = array<i32>} : memref<576xf32, #tpu.memory_space<vmem>>, vector<16xf32>,
        %get3A_353 = vector.shape_cast %get3A_352 : vector<16xf32> to vector<16xf32>
        %broadcast_in_dim3A_354 = vector.shape_cast %broadcast_in_dim3A_326 : vector<16xi32> to vector<16x1xi32>
        %gather3A_355 = vector.shape_cast %broadcast_in_dim3A_354 : vector<16x1xi32> to vector<16xi32>
        %gather3A_356 = tpu.dynamic_gather %get3A_353[%gather3A_355] in [0] : vector<16xf32>, vector<16xi32> -> vector<16xf32>
        %eq3A_357 = arith.constant 0 : i32
        %eq3A_358 = vector.broadcast %eq3A_357 : i32 to vector<16xi32>
        %eq3A_359 = arith.cmpi eq, %iota3A, %eq3A_358 : vector<16xi32>
        %eq3A_360 = arith.constant 1 : i32
        %eq3A_361 = vector.broadcast %eq3A_360 : i32 to vector<16xi32>
        %eq3A_362 = arith.cmpi eq, %iota3A, %eq3A_361 : vector<16xi32>
        %eq3A_363 = arith.constant 2 : i32
        %eq3A_364 = vector.broadcast %eq3A_363 : i32 to vector<16xi32>
        %eq3A_365 = arith.cmpi eq, %iota3A, %eq3A_364 : vector<16xi32>
        %eq3A_366 = arith.constant 3 : i32
        %eq3A_367 = vector.broadcast %eq3A_366 : i32 to vector<16xi32>
        %eq3A_368 = arith.cmpi eq, %iota3A, %eq3A_367 : vector<16xi32>
        %select_n3A_369 = arith.select %eq3A_368, %gather3A_350, %gather3A_356 : vector<16xi1>, vector<16xf32>
        %select_n3A_370 = arith.select %eq3A_365, %gather3A_344, %select_n3A_369 : vector<16xi1>, vector<16xf32>
        %select_n3A_371 = arith.select %eq3A_362, %gather3A_338, %select_n3A_370 : vector<16xi1>, vector<16xf32>
        %select_n3A_372 = arith.select %eq3A_359, %gather3A_332, %select_n3A_371 : vector<16xi1>, vector<16xf32>
        %swap3A_373 = arith.constant 0 : index
        %swap3A_374 = tpu.vector_load %arg13[%swap3A_373] {strides = array<i32>} : memref<16xf32, #tpu.memory_space<vmem>>, vector<16xf32>,
        %swap3A_375 = vector.shape_cast %swap3A_374 : vector<16xf32> to vector<16xf32>
        %swap3A_376 = vector.shape_cast %select_n3A_372 : vector<16xf32> to vector<16xf32>
        tpu.vector_store %arg13[%swap3A_373], %swap3A_376 {strides = array<i32>} : memref<16xf32, #tpu.memory_space<vmem>>, vector<16xf32>,
        "tpu.region"() ({
          %run_scoped3A = tpu.sem_alloc : memref<!tpu.dma_semaphore, #tpu.memory_space<semaphore_mem>>
          tpu.enqueue_dma source(%arg13 : memref<16xf32, #tpu.memory_space<vmem>>) target(%arg19 : memref<16xf32, #tpu.memory_space<vmem_shared>>) target_semaphore(%run_scoped3A : memref<!tpu.dma_semaphore, #tpu.memory_space<semaphore_mem>>)
          tpu.wait_dma2 semaphore(%run_scoped3A : memref<!tpu.dma_semaphore, #tpu.memory_space<semaphore_mem>>) src(%arg13 : memref<16xf32, #tpu.memory_space<vmem>>) dst(%arg19 : memref<16xf32, #tpu.memory_space<vmem_shared>>)
          tpu.yield
        }) : () -> ()
        "tpu.region"() ({
          %run_scoped3A = tpu.sem_alloc : memref<!tpu.dma_semaphore, #tpu.memory_space<semaphore_mem>>
          %dma_start3A = arith.constant 0 : i32
          %dma_start3A_377 = tpu.memref_slice %arg4[%scan3A_14, %dma_start3A] : memref<6x16xf32, #tpu.memory_space<hbm>> -> memref<1x16xf32, #tpu.memory_space<hbm>>
          %dma_start3A_378 = tpu.memref_squeeze %dma_start3A_377 : memref<1x16xf32, #tpu.memory_space<hbm>> -> memref<16xf32, #tpu.memory_space<hbm>>
          %dma_start3A_379 = arith.constant 0 : i32
          %dma_start3A_380 = tpu.memref_slice %arg4[%scan3A_14, %dma_start3A_379] : memref<6x16xf32, #tpu.memory_space<hbm>> -> memref<1x16xf32, #tpu.memory_space<hbm>>
          %dma_start3A_381 = tpu.memref_squeeze %dma_start3A_380 : memref<1x16xf32, #tpu.memory_space<hbm>> -> memref<16xf32, #tpu.memory_space<hbm>>
          tpu.enqueue_dma source(%arg13 : memref<16xf32, #tpu.memory_space<vmem>>) target(%dma_start3A_381 : memref<16xf32, #tpu.memory_space<hbm>>) target_semaphore(%run_scoped3A : memref<!tpu.dma_semaphore, #tpu.memory_space<semaphore_mem>>)
          %dma_wait3A = arith.constant 0 : i32
          %dma_wait3A_382 = tpu.memref_slice %arg4[%scan3A_14, %dma_wait3A] : memref<6x16xf32, #tpu.memory_space<hbm>> -> memref<1x16xf32, #tpu.memory_space<hbm>>
          %dma_wait3A_383 = tpu.memref_squeeze %dma_wait3A_382 : memref<1x16xf32, #tpu.memory_space<hbm>> -> memref<16xf32, #tpu.memory_space<hbm>>
          %dma_wait3A_384 = arith.constant 0 : i32
          %dma_wait3A_385 = tpu.memref_slice %arg4[%scan3A_14, %dma_wait3A_384] : memref<6x16xf32, #tpu.memory_space<hbm>> -> memref<1x16xf32, #tpu.memory_space<hbm>>
          %dma_wait3A_386 = tpu.memref_squeeze %dma_wait3A_385 : memref<1x16xf32, #tpu.memory_space<hbm>> -> memref<16xf32, #tpu.memory_space<hbm>>
          tpu.wait_dma2 semaphore(%run_scoped3A : memref<!tpu.dma_semaphore, #tpu.memory_space<semaphore_mem>>) src(%arg13 : memref<16xf32, #tpu.memory_space<vmem>>) dst(%dma_wait3A_386 : memref<16xf32, #tpu.memory_space<hbm>>)
          tpu.yield
        }) : () -> ()
      } else {
      }
      %barrier3A_261 = arith.constant 0 : index
      tpu.barrier barrier_id(%barrier3A_261)
      "tpu.region"() ({
        %run_scoped3A = tpu.sem_alloc : memref<!tpu.dma_semaphore, #tpu.memory_space<semaphore_mem>>
        tpu.enqueue_dma source(%arg19 : memref<16xf32, #tpu.memory_space<vmem_shared>>) target(%arg13 : memref<16xf32, #tpu.memory_space<vmem>>) target_semaphore(%run_scoped3A : memref<!tpu.dma_semaphore, #tpu.memory_space<semaphore_mem>>)
        tpu.wait_dma2 semaphore(%run_scoped3A : memref<!tpu.dma_semaphore, #tpu.memory_space<semaphore_mem>>) src(%arg19 : memref<16xf32, #tpu.memory_space<vmem_shared>>) dst(%arg13 : memref<16xf32, #tpu.memory_space<vmem>>)
        tpu.yield
      }) : () -> ()
      %get3A_262 = arith.constant 0 : index
      %get3A_263 = tpu.vector_load %arg13[%get3A_262] {strides = array<i32>} : memref<16xf32, #tpu.memory_space<vmem>>, vector<16xf32>,
      %get3A_264 = vector.shape_cast %get3A_263 : vector<16xf32> to vector<16xf32>
      %broadcast_in_dim3A_265 = arith.constant 0 : i32
      %broadcast_in_dim3A_266 = vector.broadcast %broadcast_in_dim3A_265 : i32 to vector<16xi32>
      %broadcast_in_dim3A_267 = vector.shape_cast %broadcast_in_dim3A_266 : vector<16xi32> to vector<16x1xi32>
      %gather3A_268 = vector.shape_cast %broadcast_in_dim3A_267 : vector<16x1xi32> to vector<16xi32>
      %gather3A_269 = tpu.dynamic_gather %get3A_264[%gather3A_268] in [0] : vector<16xf32>, vector<16xi32> -> vector<16xf32>
      %add3A = arith.constant 1 : i32
      %add3A_270 = vector.broadcast %add3A : i32 to vector<16xi32>
      %add3A_271 = arith.addi %broadcast_in_dim3A_266, %add3A_270 : vector<16xi32>
      %broadcast_in_dim3A_272 = vector.shape_cast %add3A_271 : vector<16xi32> to vector<16x1xi32>
      %gather3A_273 = vector.shape_cast %broadcast_in_dim3A_272 : vector<16x1xi32> to vector<16xi32>
      %gather3A_274 = tpu.dynamic_gather %get3A_264[%gather3A_273] in [0] : vector<16xf32>, vector<16xi32> -> vector<16xf32>
      %add3A_275 = arith.constant 2 : i32
      %add3A_276 = vector.broadcast %add3A_275 : i32 to vector<16xi32>
      %add3A_277 = arith.addi %broadcast_in_dim3A_266, %add3A_276 : vector<16xi32>
      %broadcast_in_dim3A_278 = vector.shape_cast %add3A_277 : vector<16xi32> to vector<16x1xi32>
      %gather3A_279 = vector.shape_cast %broadcast_in_dim3A_278 : vector<16x1xi32> to vector<16xi32>
      %gather3A_280 = tpu.dynamic_gather %get3A_264[%gather3A_279] in [0] : vector<16xf32>, vector<16xi32> -> vector<16xf32>
      %add3A_281 = arith.constant 3 : i32
      %add3A_282 = vector.broadcast %add3A_281 : i32 to vector<16xi32>
      %add3A_283 = arith.addi %broadcast_in_dim3A_266, %add3A_282 : vector<16xi32>
      %broadcast_in_dim3A_284 = vector.shape_cast %add3A_283 : vector<16xi32> to vector<16x1xi32>
      %gather3A_285 = vector.shape_cast %broadcast_in_dim3A_284 : vector<16x1xi32> to vector<16xi32>
      %gather3A_286 = tpu.dynamic_gather %get3A_264[%gather3A_285] in [0] : vector<16xf32>, vector<16xi32> -> vector<16xf32>
      %add3A_287 = arith.constant 4 : i32
      %add3A_288 = vector.broadcast %add3A_287 : i32 to vector<16xi32>
      %add3A_289 = arith.addi %broadcast_in_dim3A_266, %add3A_288 : vector<16xi32>
      %broadcast_in_dim3A_290 = vector.shape_cast %add3A_289 : vector<16xi32> to vector<16x1xi32>
      %gather3A_291 = vector.shape_cast %broadcast_in_dim3A_290 : vector<16x1xi32> to vector<16xi32>
      %gather3A_292 = tpu.dynamic_gather %get3A_264[%gather3A_291] in [0] : vector<16xf32>, vector<16xi32> -> vector<16xf32>
      %scan3A_293 = arith.constant 0 : i32
      %scan3A_294 = arith.constant 0 : i32
      %scan3A_295 = arith.constant 36 : i32
      %scan3A_296 = arith.addi %scan3A_294, %scan3A_295 : i32
      %scan3A_297 = arith.constant 1 : i32
      scf.for %scan3A_299 = %scan3A_294 to %scan3A_296 step %scan3A_297  : i32 {
        %mul3A_300 = arith.constant 16 : i32
        %mul3A_301 = arith.muli %scan3A_299, %mul3A_300 : i32
        %get3A_302 = arith.index_cast %mul3A_301 : i32 to index
        %get3A_303 = tpu.vector_load %arg7[%get3A_302] {strides = array<i32>} : memref<576xf32, #tpu.memory_space<vmem>>, vector<16xf32>,
        %get3A_304 = vector.shape_cast %get3A_303 : vector<16xf32> to vector<16xf32>
        %get3A_305 = arith.index_cast %mul3A_301 : i32 to index
        %get3A_306 = tpu.vector_load %arg8[%get3A_305] {strides = array<i32>} : memref<576xf32, #tpu.memory_space<vmem>>, vector<16xf32>,
        %get3A_307 = vector.shape_cast %get3A_306 : vector<16xf32> to vector<16xf32>
        %get3A_308 = arith.index_cast %mul3A_301 : i32 to index
        %get3A_309 = tpu.vector_load %arg9[%get3A_308] {strides = array<i32>} : memref<576xf32, #tpu.memory_space<vmem>>, vector<16xf32>,
        %get3A_310 = vector.shape_cast %get3A_309 : vector<16xf32> to vector<16xf32>
        %get3A_311 = arith.index_cast %mul3A_301 : i32 to index
        %get3A_312 = tpu.vector_load %arg10[%get3A_311] {strides = array<i32>} : memref<576xf32, #tpu.memory_space<vmem>>, vector<16xf32>,
        %get3A_313 = vector.shape_cast %get3A_312 : vector<16xf32> to vector<16xf32>
        %get3A_314 = arith.index_cast %mul3A_301 : i32 to index
        %get3A_315 = tpu.vector_load %arg11[%get3A_314] {strides = array<i32>} : memref<576xf32, #tpu.memory_space<vmem>>, vector<16xf32>,
        %get3A_316 = vector.shape_cast %get3A_315 : vector<16xf32> to vector<16xf32>
        %max3A = arith.maximumf %gather3A_269, %get3A_304 : vector<16xf32>
        %max3A_317 = arith.maximumf %gather3A_274, %get3A_307 : vector<16xf32>
        %min3A = arith.minimumf %gather3A_280, %get3A_310 : vector<16xf32>
        %min3A_318 = arith.minimumf %gather3A_286, %get3A_313 : vector<16xf32>
        %sub3A_319 = arith.subf %min3A, %max3A : vector<16xf32>
        %max3A_320 = arith.constant 0.000000e+00 : f32
        %max3A_321 = vector.broadcast %max3A_320 : f32 to vector<16xf32>
        %max3A_322 = arith.maximumf %sub3A_319, %max3A_321 : vector<16xf32>
        %sub3A_323 = arith.subf %min3A_318, %max3A_317 : vector<16xf32>
        %max3A_324 = arith.constant 0.000000e+00 : f32
        %max3A_325 = vector.broadcast %max3A_324 : f32 to vector<16xf32>
        %max3A_326 = arith.maximumf %sub3A_323, %max3A_325 : vector<16xf32>
        %mul3A_327 = arith.mulf %max3A_322, %max3A_326 : vector<16xf32>
        %add3A_328 = arith.addf %gather3A_292, %get3A_316 : vector<16xf32>
        %sub3A_329 = arith.subf %add3A_328, %mul3A_327 : vector<16xf32>
        %add3A_330 = arith.constant 9.99999971E-10 : f32
        %add3A_331 = vector.broadcast %add3A_330 : f32 to vector<16xf32>
        %add3A_332 = arith.addf %sub3A_329, %add3A_331 : vector<16xf32>
        %div3A_333 = arith.divf %mul3A_327, %add3A_332 : vector<16xf32>
        %mul3A_334 = arith.constant 16 : i32
        %mul3A_335 = arith.muli %scan3A_299, %mul3A_334 : i32
        %add3A_336 = arith.addi %mul3A_0, %mul3A_335 : i32
        %add3A_337 = vector.broadcast %add3A_336 : i32 to vector<16xi32>
        %add3A_338 = arith.addi %add3A_337, %iota3A : vector<16xi32>
        %gt3A_339 = arith.constant 5.000000e-01 : f32
        %gt3A_340 = vector.broadcast %gt3A_339 : f32 to vector<16xf32>
        %gt3A_341 = arith.cmpf ogt, %div3A_333, %gt3A_340 : vector<16xf32>
        %eq3A_342 = arith.cmpi eq, %add3A_338, %select_n3A_237 : vector<16xi32>
        %or3A_343 = arith.ori %gt3A_341, %eq3A_342 : vector<16xi1>
        %get3A_344 = arith.index_cast %mul3A_301 : i32 to index
        %get3A_345 = tpu.vector_load %arg12[%get3A_344] {strides = array<i32>} : memref<576xf32, #tpu.memory_space<vmem>>, vector<16xf32>,
        %get3A_346 = vector.shape_cast %get3A_345 : vector<16xf32> to vector<16xf32>
        %jit3A_347 = arith.constant 0xFF800000 : f32
        %broadcast_in_dim3A_348 = vector.broadcast %jit3A_347 : f32 to vector<16xf32>
        %select_n3A_349 = arith.select %or3A_343, %broadcast_in_dim3A_348, %get3A_346 : vector<16xi1>, vector<16xf32>
        %swap3A_350 = arith.index_cast %mul3A_301 : i32 to index
        %swap3A_351 = tpu.vector_load %arg12[%swap3A_350] {strides = array<i32>} : memref<576xf32, #tpu.memory_space<vmem>>, vector<16xf32>,
        %swap3A_352 = vector.shape_cast %swap3A_351 : vector<16xf32> to vector<16xf32>
        %swap3A_353 = vector.shape_cast %select_n3A_349 : vector<16xf32> to vector<16xf32>
        tpu.vector_store %arg12[%swap3A_350], %swap3A_353 {strides = array<i32>} : memref<576xf32, #tpu.memory_space<vmem>>, vector<16xf32>,
      }
      %scan3A_298 = arith.constant 36 : i32
    }
    %scan3A_13 = arith.constant 6 : i32
    return
  }
}

module attributes {stable_mosaic.version = 14 : i64} {
  func.func @_trunk_body(%arg0: i32, %arg1: memref<1024x512xf32, #tpu.memory_space<vmem>>, %arg2: memref<1536x512xf32, #tpu.memory_space<vmem>>, %arg3: memref<1x512xf32, #tpu.memory_space<vmem>>, %arg4: memref<72x512xf32, #tpu.memory_space<vmem>>, %arg5: memref<63x512xf32, #tpu.memory_space<vmem>>, %arg6: memref<1x72xf32, #tpu.memory_space<vmem>>, %arg7: memref<1x9xf32, #tpu.memory_space<vmem>>, %arg8: memref<1x54xf32, #tpu.memory_space<vmem>>, %arg9: memref<1024x54xf32, #tpu.memory_space<vmem>>, %arg10: memref<16x144x64xf32, #tpu.memory_space<vmem>>, %arg11: memref<1024x512xf32, #tpu.memory_space<vmem>>, %arg12: memref<1024x512xf32, #tpu.memory_space<vmem>>, %arg13: memref<1024x512xf32, #tpu.memory_space<vmem>>) attributes {dimension_semantics = [#tpu.dimension_semantics<arbitrary>], iteration_bounds = array<i64: 3>, scalar_prefetch = 0 : i64, scratch_operands = 3 : i64, tpu.core_type = #tpu.core_type<tc>, window_params = [{pipeline_mode = #tpu.pipeline_mode<synchronous>, transform_indices = @transform_0, window_bounds = array<i64: 1024, 512>}, {transform_indices = @transform_1, window_bounds = array<i64: 1536, 512>}, {pipeline_mode = #tpu.pipeline_mode<synchronous>, transform_indices = @transform_2, window_bounds = array<i64: 1, 512>}, {pipeline_mode = #tpu.pipeline_mode<synchronous>, transform_indices = @transform_3, window_bounds = array<i64: 72, 512>}, {pipeline_mode = #tpu.pipeline_mode<synchronous>, transform_indices = @transform_4, window_bounds = array<i64: 63, 512>}, {pipeline_mode = #tpu.pipeline_mode<synchronous>, transform_indices = @transform_5, window_bounds = array<i64: 1, 72>}, {pipeline_mode = #tpu.pipeline_mode<synchronous>, transform_indices = @transform_6, window_bounds = array<i64: 1, 9>}, {pipeline_mode = #tpu.pipeline_mode<synchronous>, transform_indices = @transform_7, window_bounds = array<i64: 1, 54>}, {pipeline_mode = #tpu.pipeline_mode<synchronous>, transform_indices = @transform_8, window_bounds = array<i64: 1024, 54>}, {pipeline_mode = #tpu.pipeline_mode<synchronous>, transform_indices = @transform_9, window_bounds = array<i64: 16, 144, 64>}]} {
    %get3A = arith.constant 0 : index
    %get3A_0 = arith.constant 0 : index
    %get3A_1 = vector.load %arg1[%get3A, %get3A_0] : memref<1024x512xf32, #tpu.memory_space<vmem>>, vector<1024x512xf32>
    %eq3A = arith.constant 0 : i32
    %eq3A_2 = arith.cmpi eq, %arg0, %eq3A : i32
    %convert_element_type3A = arith.extui %eq3A_2 : i1 to i32
    %cond3A = arith.constant 0 : i32
    %cond3A_3 = arith.cmpi ne, %convert_element_type3A, %cond3A : i32
    scf.if %cond3A_3 {
      %iota3A = tpu.iota {dimensions = array<i32: 0>} : vector<1024x512xi32>
      %jit3A = arith.constant 32 : i32
      %eq3A_27 = arith.constant 0 : i32
      %eq3A_28 = arith.cmpi eq, %jit3A, %eq3A_27 : i32
      %jit3A_29 = arith.constant 1 : i32
      %select_n3A = arith.select %eq3A_28, %jit3A_29, %jit3A : i32
      %rem3A = vector.broadcast %select_n3A : i32 to vector<1024x512xi32>
      %rem3A_30 = arith.remsi %iota3A, %rem3A : vector<1024x512xi32>
      %ne3A = arith.constant 0 : i32
      %ne3A_31 = vector.broadcast %ne3A : i32 to vector<1024x512xi32>
      %ne3A_32 = arith.cmpi ne, %rem3A_30, %ne3A_31 : vector<1024x512xi32>
      %lt3A = arith.constant 0 : i32
      %lt3A_33 = vector.broadcast %lt3A : i32 to vector<1024x512xi32>
      %lt3A_34 = arith.cmpi slt, %rem3A_30, %lt3A_33 : vector<1024x512xi32>
      %lt3A_35 = arith.constant 0 : i32
      %lt3A_36 = arith.cmpi slt, %select_n3A, %lt3A_35 : i32
      %ne3A_37 = vector.broadcast %lt3A_36 : i1 to vector<1024x512xi1>
      %ne3A_38 = vector.broadcast %ne3A_37 : vector<1024x512xi1> to vector<1024x512xi1>
      %ne3A_39 = arith.xori %lt3A_34, %ne3A_38 : vector<1024x512xi1>
      %and3A = arith.andi %ne3A_39, %ne3A_32 : vector<1024x512xi1>
      %add3A = vector.broadcast %select_n3A : i32 to vector<1024x512xi32>
      %add3A_40 = arith.addi %rem3A_30, %add3A : vector<1024x512xi32>
      %select_n3A_41 = arith.select %and3A, %add3A_40, %rem3A_30 : vector<1024x512xi1>, vector<1024x512xi32>
      %broadcast_in_dim3A = arith.constant 0.000000e+00 : f32
      %broadcast_in_dim3A_42 = vector.broadcast %broadcast_in_dim3A : f32 to vector<1x512xf32>
      %slice3A = vector.extract_strided_slice %get3A_1 {offsets = [0, 0], sizes = [1023, 512], strides = [1, 1]} : vector<1024x512xf32> to vector<1023x512xf32>
      %concatenate3A = tpu.concatenate %broadcast_in_dim3A_42, %slice3A in 0 : vector<1x512xf32>, vector<1023x512xf32> -> vector<1024x512xf32>
      %eq3A_43 = arith.constant 0 : i32
      %eq3A_44 = vector.broadcast %eq3A_43 : i32 to vector<1024x512xi32>
      %eq3A_45 = arith.cmpi eq, %select_n3A_41, %eq3A_44 : vector<1024x512xi32>
      %jit3A_46 = arith.constant 0.000000e+00 : f32
      %broadcast_in_dim3A_47 = vector.broadcast %jit3A_46 : f32 to vector<1024x512xf32>
      %select_n3A_48 = arith.select %eq3A_45, %broadcast_in_dim3A_47, %concatenate3A : vector<1024x512xi1>, vector<1024x512xf32>
      %swap3A = arith.constant 0 : index
      %swap3A_49 = arith.constant 0 : index
      %swap3A_50 = vector.load %arg12[%swap3A, %swap3A_49] : memref<1024x512xf32, #tpu.memory_space<vmem>>, vector<1024x512xf32>
      tpu.vector_store %arg12[%swap3A, %swap3A_49], %select_n3A_48 {strides = array<i32>} : memref<1024x512xf32, #tpu.memory_space<vmem>>, vector<1024x512xf32>,
      %slice3A_51 = vector.extract_strided_slice %get3A_1 {offsets = [1, 0], sizes = [1023, 512], strides = [1, 1]} : vector<1024x512xf32> to vector<1023x512xf32>
      %broadcast_in_dim3A_52 = arith.constant 0.000000e+00 : f32
      %broadcast_in_dim3A_53 = vector.broadcast %broadcast_in_dim3A_52 : f32 to vector<1x512xf32>
      %concatenate3A_54 = tpu.concatenate %slice3A_51, %broadcast_in_dim3A_53 in 0 : vector<1023x512xf32>, vector<1x512xf32> -> vector<1024x512xf32>
      %eq3A_55 = arith.constant 31 : i32
      %eq3A_56 = vector.broadcast %eq3A_55 : i32 to vector<1024x512xi32>
      %eq3A_57 = arith.cmpi eq, %select_n3A_41, %eq3A_56 : vector<1024x512xi32>
      %jit3A_58 = arith.constant 0.000000e+00 : f32
      %broadcast_in_dim3A_59 = vector.broadcast %jit3A_58 : f32 to vector<1024x512xf32>
      %select_n3A_60 = arith.select %eq3A_57, %broadcast_in_dim3A_59, %concatenate3A_54 : vector<1024x512xi1>, vector<1024x512xf32>
      %swap3A_61 = arith.constant 0 : index
      %swap3A_62 = arith.constant 0 : index
      %swap3A_63 = vector.load %arg13[%swap3A_61, %swap3A_62] : memref<1024x512xf32, #tpu.memory_space<vmem>>, vector<1024x512xf32>
      tpu.vector_store %arg13[%swap3A_61, %swap3A_62], %select_n3A_60 {strides = array<i32>} : memref<1024x512xf32, #tpu.memory_space<vmem>>, vector<1024x512xf32>,
    } else {
    }
    %get3A_4 = arith.constant 0 : index
    %get3A_5 = arith.constant 0 : index
    %get3A_6 = vector.load %arg2[%get3A_4, %get3A_5] : memref<1536x512xf32, #tpu.memory_space<vmem>>, vector<1536x512xf32>
    %eq3A_7 = arith.constant 0 : i32
    %eq3A_8 = arith.cmpi eq, %arg0, %eq3A_7 : i32
    %convert_element_type3A_9 = arith.extui %eq3A_8 : i1 to i32
    %cond3A_10 = arith.constant 0 : i32
    %cond3A_11 = arith.cmpi ne, %convert_element_type3A_9, %cond3A_10 : i32
    scf.if %cond3A_11 {
      %get3A_27 = arith.constant 0 : index
      %get3A_28 = arith.constant 0 : index
      %get3A_29 = vector.load %arg12[%get3A_27, %get3A_28] : memref<1024x512xf32, #tpu.memory_space<vmem>>, vector<1024x512xf32>
      %broadcast_in_dim3A = arith.constant 0.000000e+00 : f32
      %broadcast_in_dim3A_30 = vector.broadcast %broadcast_in_dim3A : f32 to vector<32x512xf32>
      %slice3A = vector.extract_strided_slice %get3A_29 {offsets = [0, 0], sizes = [992, 512], strides = [1, 1]} : vector<1024x512xf32> to vector<992x512xf32>
      %concatenate3A = tpu.concatenate %broadcast_in_dim3A_30, %slice3A in 0 : vector<32x512xf32>, vector<992x512xf32> -> vector<1024x512xf32>
      %broadcast_in_dim3A_31 = arith.constant 0.000000e+00 : f32
      %broadcast_in_dim3A_32 = vector.broadcast %broadcast_in_dim3A_31 : f32 to vector<32x512xf32>
      %slice3A_33 = vector.extract_strided_slice %get3A_1 {offsets = [0, 0], sizes = [992, 512], strides = [1, 1]} : vector<1024x512xf32> to vector<992x512xf32>
      %concatenate3A_34 = tpu.concatenate %broadcast_in_dim3A_32, %slice3A_33 in 0 : vector<32x512xf32>, vector<992x512xf32> -> vector<1024x512xf32>
      %get3A_35 = arith.constant 0 : index
      %get3A_36 = arith.constant 0 : index
      %get3A_37 = vector.load %arg13[%get3A_35, %get3A_36] : memref<1024x512xf32, #tpu.memory_space<vmem>>, vector<1024x512xf32>
      %broadcast_in_dim3A_38 = arith.constant 0.000000e+00 : f32
      %broadcast_in_dim3A_39 = vector.broadcast %broadcast_in_dim3A_38 : f32 to vector<32x512xf32>
      %slice3A_40 = vector.extract_strided_slice %get3A_37 {offsets = [0, 0], sizes = [992, 512], strides = [1, 1]} : vector<1024x512xf32> to vector<992x512xf32>
      %concatenate3A_41 = tpu.concatenate %broadcast_in_dim3A_39, %slice3A_40 in 0 : vector<32x512xf32>, vector<992x512xf32> -> vector<1024x512xf32>
      %concatenate3A_42 = tpu.concatenate %concatenate3A, %concatenate3A_34, %concatenate3A_41 in 1 : vector<1024x512xf32>, vector<1024x512xf32>, vector<1024x512xf32> -> vector<1024x1536xf32>
      %dot_general3A = arith.constant dense<0.000000e+00> : vector<1024x512xf32>
      %dot_general3A_43 = tpu.matmul %concatenate3A_42, %get3A_6, %dot_general3A {dimension_numbers = #tpu.dot_dimension_numbers<[1], [0], [0], [1], [0, 0, 1, 1], [], []>, transpose_lhs_hint = false} : vector<1024x1536xf32>, vector<1536x512xf32>, vector<1024x512xf32> -> vector<1024x512xf32>
      %swap3A = arith.constant 0 : index
      %swap3A_44 = arith.constant 0 : index
      %swap3A_45 = vector.load %arg11[%swap3A, %swap3A_44] : memref<1024x512xf32, #tpu.memory_space<vmem>>, vector<1024x512xf32>
      tpu.vector_store %arg11[%swap3A, %swap3A_44], %dot_general3A_43 {strides = array<i32>} : memref<1024x512xf32, #tpu.memory_space<vmem>>, vector<1024x512xf32>,
    } else {
    }
    %eq3A_12 = arith.constant 1 : i32
    %eq3A_13 = arith.cmpi eq, %arg0, %eq3A_12 : i32
    %convert_element_type3A_14 = arith.extui %eq3A_13 : i1 to i32
    %cond3A_15 = arith.constant 0 : i32
    %cond3A_16 = arith.cmpi ne, %convert_element_type3A_14, %cond3A_15 : i32
    scf.if %cond3A_16 {
      %get3A_27 = arith.constant 0 : index
      %get3A_28 = arith.constant 0 : index
      %get3A_29 = vector.load %arg12[%get3A_27, %get3A_28] : memref<1024x512xf32, #tpu.memory_space<vmem>>, vector<1024x512xf32>
      %get3A_30 = arith.constant 0 : index
      %get3A_31 = arith.constant 0 : index
      %get3A_32 = vector.load %arg13[%get3A_30, %get3A_31] : memref<1024x512xf32, #tpu.memory_space<vmem>>, vector<1024x512xf32>
      %concatenate3A = tpu.concatenate %get3A_29, %get3A_1, %get3A_32 in 1 : vector<1024x512xf32>, vector<1024x512xf32>, vector<1024x512xf32> -> vector<1024x1536xf32>
      %dot_general3A = arith.constant dense<0.000000e+00> : vector<1024x512xf32>
      %dot_general3A_33 = tpu.matmul %concatenate3A, %get3A_6, %dot_general3A {dimension_numbers = #tpu.dot_dimension_numbers<[1], [0], [0], [1], [0, 0, 1, 1], [], []>, transpose_lhs_hint = false} : vector<1024x1536xf32>, vector<1536x512xf32>, vector<1024x512xf32> -> vector<1024x512xf32>
      %get3A_34 = arith.constant 0 : index
      %get3A_35 = arith.constant 0 : index
      %get3A_36 = vector.load %arg11[%get3A_34, %get3A_35] : memref<1024x512xf32, #tpu.memory_space<vmem>>, vector<1024x512xf32>
      %add3A = arith.addf %get3A_36, %dot_general3A_33 : vector<1024x512xf32>
      %swap3A = arith.constant 0 : index
      %swap3A_37 = arith.constant 0 : index
      %swap3A_38 = vector.load %arg11[%swap3A, %swap3A_37] : memref<1024x512xf32, #tpu.memory_space<vmem>>, vector<1024x512xf32>
      tpu.vector_store %arg11[%swap3A, %swap3A_37], %add3A {strides = array<i32>} : memref<1024x512xf32, #tpu.memory_space<vmem>>, vector<1024x512xf32>,
    } else {
    }
    %eq3A_17 = arith.constant 2 : i32
    %eq3A_18 = arith.cmpi eq, %arg0, %eq3A_17 : i32
    %convert_element_type3A_19 = arith.extui %eq3A_18 : i1 to i32
    %cond3A_20 = arith.constant 0 : i32
    %cond3A_21 = arith.cmpi ne, %convert_element_type3A_19, %cond3A_20 : i32
    scf.if %cond3A_21 {
      %get3A_27 = arith.constant 0 : index
      %get3A_28 = arith.constant 0 : index
      %get3A_29 = vector.load %arg12[%get3A_27, %get3A_28] : memref<1024x512xf32, #tpu.memory_space<vmem>>, vector<1024x512xf32>
      %slice3A = vector.extract_strided_slice %get3A_29 {offsets = [32, 0], sizes = [992, 512], strides = [1, 1]} : vector<1024x512xf32> to vector<992x512xf32>
      %broadcast_in_dim3A = arith.constant 0.000000e+00 : f32
      %broadcast_in_dim3A_30 = vector.broadcast %broadcast_in_dim3A : f32 to vector<32x512xf32>
      %concatenate3A = tpu.concatenate %slice3A, %broadcast_in_dim3A_30 in 0 : vector<992x512xf32>, vector<32x512xf32> -> vector<1024x512xf32>
      %slice3A_31 = vector.extract_strided_slice %get3A_1 {offsets = [32, 0], sizes = [992, 512], strides = [1, 1]} : vector<1024x512xf32> to vector<992x512xf32>
      %broadcast_in_dim3A_32 = arith.constant 0.000000e+00 : f32
      %broadcast_in_dim3A_33 = vector.broadcast %broadcast_in_dim3A_32 : f32 to vector<32x512xf32>
      %concatenate3A_34 = tpu.concatenate %slice3A_31, %broadcast_in_dim3A_33 in 0 : vector<992x512xf32>, vector<32x512xf32> -> vector<1024x512xf32>
      %get3A_35 = arith.constant 0 : index
      %get3A_36 = arith.constant 0 : index
      %get3A_37 = vector.load %arg13[%get3A_35, %get3A_36] : memref<1024x512xf32, #tpu.memory_space<vmem>>, vector<1024x512xf32>
      %slice3A_38 = vector.extract_strided_slice %get3A_37 {offsets = [32, 0], sizes = [992, 512], strides = [1, 1]} : vector<1024x512xf32> to vector<992x512xf32>
      %broadcast_in_dim3A_39 = arith.constant 0.000000e+00 : f32
      %broadcast_in_dim3A_40 = vector.broadcast %broadcast_in_dim3A_39 : f32 to vector<32x512xf32>
      %concatenate3A_41 = tpu.concatenate %slice3A_38, %broadcast_in_dim3A_40 in 0 : vector<992x512xf32>, vector<32x512xf32> -> vector<1024x512xf32>
      %concatenate3A_42 = tpu.concatenate %concatenate3A, %concatenate3A_34, %concatenate3A_41 in 1 : vector<1024x512xf32>, vector<1024x512xf32>, vector<1024x512xf32> -> vector<1024x1536xf32>
      %dot_general3A = arith.constant dense<0.000000e+00> : vector<1024x512xf32>
      %dot_general3A_43 = tpu.matmul %concatenate3A_42, %get3A_6, %dot_general3A {dimension_numbers = #tpu.dot_dimension_numbers<[1], [0], [0], [1], [0, 0, 1, 1], [], []>, transpose_lhs_hint = false} : vector<1024x1536xf32>, vector<1536x512xf32>, vector<1024x512xf32> -> vector<1024x512xf32>
      %get3A_44 = arith.constant 0 : index
      %get3A_45 = arith.constant 0 : index
      %get3A_46 = vector.load %arg11[%get3A_44, %get3A_45] : memref<1024x512xf32, #tpu.memory_space<vmem>>, vector<1024x512xf32>
      %add3A = arith.addf %get3A_46, %dot_general3A_43 : vector<1024x512xf32>
      %swap3A = arith.constant 0 : index
      %swap3A_47 = arith.constant 0 : index
      %swap3A_48 = vector.load %arg11[%swap3A, %swap3A_47] : memref<1024x512xf32, #tpu.memory_space<vmem>>, vector<1024x512xf32>
      tpu.vector_store %arg11[%swap3A, %swap3A_47], %add3A {strides = array<i32>} : memref<1024x512xf32, #tpu.memory_space<vmem>>, vector<1024x512xf32>,
    } else {
    }
    %eq3A_22 = arith.constant 2 : i32
    %eq3A_23 = arith.cmpi eq, %arg0, %eq3A_22 : i32
    %convert_element_type3A_24 = arith.extui %eq3A_23 : i1 to i32
    %cond3A_25 = arith.constant 0 : i32
    %cond3A_26 = arith.cmpi ne, %convert_element_type3A_24, %cond3A_25 : i32
    scf.if %cond3A_26 {
      %get3A_27 = arith.constant 0 : index
      %get3A_28 = arith.constant 0 : index
      %get3A_29 = vector.load %arg11[%get3A_27, %get3A_28] : memref<1024x512xf32, #tpu.memory_space<vmem>>, vector<1024x512xf32>
      %get3A_30 = arith.constant 0 : index
      %get3A_31 = arith.constant 0 : index
      %get3A_32 = vector.load %arg3[%get3A_30, %get3A_31] : memref<1x512xf32, #tpu.memory_space<vmem>>, vector<1x512xf32>
      %add3A = vector.broadcast %get3A_32 : vector<1x512xf32> to vector<1024x512xf32>
      %add3A_33 = arith.addf %get3A_29, %add3A : vector<1024x512xf32>
      %max3A = arith.constant 0.000000e+00 : f32
      %max3A_34 = vector.broadcast %max3A : f32 to vector<1024x512xf32>
      %max3A_35 = arith.maximumf %add3A_33, %max3A_34 : vector<1024x512xf32>
      %broadcast_in_dim3A = arith.constant 0.000000e+00 : f32
      %broadcast_in_dim3A_36 = vector.broadcast %broadcast_in_dim3A : f32 to vector<512x9xf32>
      %get3A_37 = arith.constant 0 : index
      %get3A_38 = arith.constant 0 : index
      %get3A_39 = vector.load %arg4[%get3A_37, %get3A_38] : memref<72x512xf32, #tpu.memory_space<vmem>>, vector<72x512xf32>
      %transpose3A = tpu.transpose %get3A_39, [1, 0] : vector<72x512xf32> -> vector<512x72xf32>
      %get3A_40 = arith.constant 0 : index
      %get3A_41 = arith.constant 0 : index
      %get3A_42 = vector.load %arg5[%get3A_40, %get3A_41] : memref<63x512xf32, #tpu.memory_space<vmem>>, vector<63x512xf32>
      %transpose3A_43 = tpu.transpose %get3A_42, [1, 0] : vector<63x512xf32> -> vector<512x63xf32>
      %concatenate3A = tpu.concatenate %transpose3A, %transpose3A_43, %broadcast_in_dim3A_36 in 1 : vector<512x72xf32>, vector<512x63xf32>, vector<512x9xf32> -> vector<512x144xf32>
      %broadcast_in_dim3A_44 = arith.constant 0.000000e+00 : f32
      %broadcast_in_dim3A_45 = vector.broadcast %broadcast_in_dim3A_44 : f32 to vector<1x9xf32>
      %get3A_46 = arith.constant 0 : index
      %get3A_47 = arith.constant 0 : index
      %get3A_48 = vector.load %arg6[%get3A_46, %get3A_47] : memref<1x72xf32, #tpu.memory_space<vmem>>, vector<1x72xf32>
      %get3A_49 = arith.constant 0 : index
      %get3A_50 = arith.constant 0 : index
      %get3A_51 = vector.load %arg7[%get3A_49, %get3A_50] : memref<1x9xf32, #tpu.memory_space<vmem>>, vector<1x9xf32>
      %get3A_52 = arith.constant 0 : index
      %get3A_53 = arith.constant 0 : index
      %get3A_54 = vector.load %arg8[%get3A_52, %get3A_53] : memref<1x54xf32, #tpu.memory_space<vmem>>, vector<1x54xf32>
      %concatenate3A_55 = tpu.concatenate %get3A_48, %get3A_51, %get3A_54, %broadcast_in_dim3A_45 in 1 : vector<1x72xf32>, vector<1x9xf32>, vector<1x54xf32>, vector<1x9xf32> -> vector<1x144xf32>
      %dot_general3A = arith.constant dense<0.000000e+00> : vector<1024x144xf32>
      %dot_general3A_56 = tpu.matmul %max3A_35, %concatenate3A, %dot_general3A {dimension_numbers = #tpu.dot_dimension_numbers<[1], [0], [0], [1], [0, 0, 1, 1], [], []>, transpose_lhs_hint = false} : vector<1024x512xf32>, vector<512x144xf32>, vector<1024x144xf32> -> vector<1024x144xf32>
      %add3A_57 = vector.broadcast %concatenate3A_55 : vector<1x144xf32> to vector<1024x144xf32>
      %add3A_58 = arith.addf %dot_general3A_56, %add3A_57 : vector<1024x144xf32>
      %slice3A = vector.extract_strided_slice %add3A_58 {offsets = [0, 81], sizes = [1024, 54], strides = [1, 1]} : vector<1024x144xf32> to vector<1024x54xf32>
      %swap3A = arith.constant 0 : index
      %swap3A_59 = arith.constant 0 : index
      %swap3A_60 = vector.load %arg9[%swap3A, %swap3A_59] : memref<1024x54xf32, #tpu.memory_space<vmem>>, vector<1024x54xf32>
      tpu.vector_store %arg9[%swap3A, %swap3A_59], %slice3A {strides = array<i32>} : memref<1024x54xf32, #tpu.memory_space<vmem>>, vector<1024x54xf32>,
      %transpose3A_61 = tpu.transpose %add3A_58, [1, 0] : vector<1024x144xf32> -> vector<144x1024xf32>
      %slice3A_62 = vector.extract_strided_slice %transpose3A_61 {offsets = [0, 0], sizes = [144, 64], strides = [1, 1]} : vector<144x1024xf32> to vector<144x64xf32>
      %swap3A_63 = arith.constant 0 : index
      %swap3A_64 = arith.constant 0 : index
      %swap3A_65 = arith.constant 0 : index
      %swap3A_66 = vector.load %arg10[%swap3A_63, %swap3A_64, %swap3A_65] : memref<16x144x64xf32, #tpu.memory_space<vmem>>, vector<1x144x64xf32>
      %swap3A_67 = vector.shape_cast %swap3A_66 : vector<1x144x64xf32> to vector<144x64xf32>
      %swap3A_68 = vector.shape_cast %slice3A_62 : vector<144x64xf32> to vector<1x144x64xf32>
      tpu.vector_store %arg10[%swap3A_63, %swap3A_64, %swap3A_65], %swap3A_68 {strides = array<i32>} : memref<16x144x64xf32, #tpu.memory_space<vmem>>, vector<1x144x64xf32>,
      %slice3A_69 = vector.extract_strided_slice %transpose3A_61 {offsets = [0, 64], sizes = [144, 64], strides = [1, 1]} : vector<144x1024xf32> to vector<144x64xf32>
      %swap3A_70 = arith.constant 1 : index
      %swap3A_71 = arith.constant 0 : index
      %swap3A_72 = arith.constant 0 : index
      %swap3A_73 = vector.load %arg10[%swap3A_70, %swap3A_71, %swap3A_72] : memref<16x144x64xf32, #tpu.memory_space<vmem>>, vector<1x144x64xf32>
      %swap3A_74 = vector.shape_cast %swap3A_73 : vector<1x144x64xf32> to vector<144x64xf32>
      %swap3A_75 = vector.shape_cast %slice3A_69 : vector<144x64xf32> to vector<1x144x64xf32>
      tpu.vector_store %arg10[%swap3A_70, %swap3A_71, %swap3A_72], %swap3A_75 {strides = array<i32>} : memref<16x144x64xf32, #tpu.memory_space<vmem>>, vector<1x144x64xf32>,
      %slice3A_76 = vector.extract_strided_slice %transpose3A_61 {offsets = [0, 128], sizes = [144, 64], strides = [1, 1]} : vector<144x1024xf32> to vector<144x64xf32>
      %swap3A_77 = arith.constant 2 : index
      %swap3A_78 = arith.constant 0 : index
      %swap3A_79 = arith.constant 0 : index
      %swap3A_80 = vector.load %arg10[%swap3A_77, %swap3A_78, %swap3A_79] : memref<16x144x64xf32, #tpu.memory_space<vmem>>, vector<1x144x64xf32>
      %swap3A_81 = vector.shape_cast %swap3A_80 : vector<1x144x64xf32> to vector<144x64xf32>
      %swap3A_82 = vector.shape_cast %slice3A_76 : vector<144x64xf32> to vector<1x144x64xf32>
      tpu.vector_store %arg10[%swap3A_77, %swap3A_78, %swap3A_79], %swap3A_82 {strides = array<i32>} : memref<16x144x64xf32, #tpu.memory_space<vmem>>, vector<1x144x64xf32>,
      %slice3A_83 = vector.extract_strided_slice %transpose3A_61 {offsets = [0, 192], sizes = [144, 64], strides = [1, 1]} : vector<144x1024xf32> to vector<144x64xf32>
      %swap3A_84 = arith.constant 3 : index
      %swap3A_85 = arith.constant 0 : index
      %swap3A_86 = arith.constant 0 : index
      %swap3A_87 = vector.load %arg10[%swap3A_84, %swap3A_85, %swap3A_86] : memref<16x144x64xf32, #tpu.memory_space<vmem>>, vector<1x144x64xf32>
      %swap3A_88 = vector.shape_cast %swap3A_87 : vector<1x144x64xf32> to vector<144x64xf32>
      %swap3A_89 = vector.shape_cast %slice3A_83 : vector<144x64xf32> to vector<1x144x64xf32>
      tpu.vector_store %arg10[%swap3A_84, %swap3A_85, %swap3A_86], %swap3A_89 {strides = array<i32>} : memref<16x144x64xf32, #tpu.memory_space<vmem>>, vector<1x144x64xf32>,
      %slice3A_90 = vector.extract_strided_slice %transpose3A_61 {offsets = [0, 256], sizes = [144, 64], strides = [1, 1]} : vector<144x1024xf32> to vector<144x64xf32>
      %swap3A_91 = arith.constant 4 : index
      %swap3A_92 = arith.constant 0 : index
      %swap3A_93 = arith.constant 0 : index
      %swap3A_94 = vector.load %arg10[%swap3A_91, %swap3A_92, %swap3A_93] : memref<16x144x64xf32, #tpu.memory_space<vmem>>, vector<1x144x64xf32>
      %swap3A_95 = vector.shape_cast %swap3A_94 : vector<1x144x64xf32> to vector<144x64xf32>
      %swap3A_96 = vector.shape_cast %slice3A_90 : vector<144x64xf32> to vector<1x144x64xf32>
      tpu.vector_store %arg10[%swap3A_91, %swap3A_92, %swap3A_93], %swap3A_96 {strides = array<i32>} : memref<16x144x64xf32, #tpu.memory_space<vmem>>, vector<1x144x64xf32>,
      %slice3A_97 = vector.extract_strided_slice %transpose3A_61 {offsets = [0, 320], sizes = [144, 64], strides = [1, 1]} : vector<144x1024xf32> to vector<144x64xf32>
      %swap3A_98 = arith.constant 5 : index
      %swap3A_99 = arith.constant 0 : index
      %swap3A_100 = arith.constant 0 : index
      %swap3A_101 = vector.load %arg10[%swap3A_98, %swap3A_99, %swap3A_100] : memref<16x144x64xf32, #tpu.memory_space<vmem>>, vector<1x144x64xf32>
      %swap3A_102 = vector.shape_cast %swap3A_101 : vector<1x144x64xf32> to vector<144x64xf32>
      %swap3A_103 = vector.shape_cast %slice3A_97 : vector<144x64xf32> to vector<1x144x64xf32>
      tpu.vector_store %arg10[%swap3A_98, %swap3A_99, %swap3A_100], %swap3A_103 {strides = array<i32>} : memref<16x144x64xf32, #tpu.memory_space<vmem>>, vector<1x144x64xf32>,
      %slice3A_104 = vector.extract_strided_slice %transpose3A_61 {offsets = [0, 384], sizes = [144, 64], strides = [1, 1]} : vector<144x1024xf32> to vector<144x64xf32>
      %swap3A_105 = arith.constant 6 : index
      %swap3A_106 = arith.constant 0 : index
      %swap3A_107 = arith.constant 0 : index
      %swap3A_108 = vector.load %arg10[%swap3A_105, %swap3A_106, %swap3A_107] : memref<16x144x64xf32, #tpu.memory_space<vmem>>, vector<1x144x64xf32>
      %swap3A_109 = vector.shape_cast %swap3A_108 : vector<1x144x64xf32> to vector<144x64xf32>
      %swap3A_110 = vector.shape_cast %slice3A_104 : vector<144x64xf32> to vector<1x144x64xf32>
      tpu.vector_store %arg10[%swap3A_105, %swap3A_106, %swap3A_107], %swap3A_110 {strides = array<i32>} : memref<16x144x64xf32, #tpu.memory_space<vmem>>, vector<1x144x64xf32>,
      %slice3A_111 = vector.extract_strided_slice %transpose3A_61 {offsets = [0, 448], sizes = [144, 64], strides = [1, 1]} : vector<144x1024xf32> to vector<144x64xf32>
      %swap3A_112 = arith.constant 7 : index
      %swap3A_113 = arith.constant 0 : index
      %swap3A_114 = arith.constant 0 : index
      %swap3A_115 = vector.load %arg10[%swap3A_112, %swap3A_113, %swap3A_114] : memref<16x144x64xf32, #tpu.memory_space<vmem>>, vector<1x144x64xf32>
      %swap3A_116 = vector.shape_cast %swap3A_115 : vector<1x144x64xf32> to vector<144x64xf32>
      %swap3A_117 = vector.shape_cast %slice3A_111 : vector<144x64xf32> to vector<1x144x64xf32>
      tpu.vector_store %arg10[%swap3A_112, %swap3A_113, %swap3A_114], %swap3A_117 {strides = array<i32>} : memref<16x144x64xf32, #tpu.memory_space<vmem>>, vector<1x144x64xf32>,
      %slice3A_118 = vector.extract_strided_slice %transpose3A_61 {offsets = [0, 512], sizes = [144, 64], strides = [1, 1]} : vector<144x1024xf32> to vector<144x64xf32>
      %swap3A_119 = arith.constant 8 : index
      %swap3A_120 = arith.constant 0 : index
      %swap3A_121 = arith.constant 0 : index
      %swap3A_122 = vector.load %arg10[%swap3A_119, %swap3A_120, %swap3A_121] : memref<16x144x64xf32, #tpu.memory_space<vmem>>, vector<1x144x64xf32>
      %swap3A_123 = vector.shape_cast %swap3A_122 : vector<1x144x64xf32> to vector<144x64xf32>
      %swap3A_124 = vector.shape_cast %slice3A_118 : vector<144x64xf32> to vector<1x144x64xf32>
      tpu.vector_store %arg10[%swap3A_119, %swap3A_120, %swap3A_121], %swap3A_124 {strides = array<i32>} : memref<16x144x64xf32, #tpu.memory_space<vmem>>, vector<1x144x64xf32>,
      %slice3A_125 = vector.extract_strided_slice %transpose3A_61 {offsets = [0, 576], sizes = [144, 64], strides = [1, 1]} : vector<144x1024xf32> to vector<144x64xf32>
      %swap3A_126 = arith.constant 9 : index
      %swap3A_127 = arith.constant 0 : index
      %swap3A_128 = arith.constant 0 : index
      %swap3A_129 = vector.load %arg10[%swap3A_126, %swap3A_127, %swap3A_128] : memref<16x144x64xf32, #tpu.memory_space<vmem>>, vector<1x144x64xf32>
      %swap3A_130 = vector.shape_cast %swap3A_129 : vector<1x144x64xf32> to vector<144x64xf32>
      %swap3A_131 = vector.shape_cast %slice3A_125 : vector<144x64xf32> to vector<1x144x64xf32>
      tpu.vector_store %arg10[%swap3A_126, %swap3A_127, %swap3A_128], %swap3A_131 {strides = array<i32>} : memref<16x144x64xf32, #tpu.memory_space<vmem>>, vector<1x144x64xf32>,
      %slice3A_132 = vector.extract_strided_slice %transpose3A_61 {offsets = [0, 640], sizes = [144, 64], strides = [1, 1]} : vector<144x1024xf32> to vector<144x64xf32>
      %swap3A_133 = arith.constant 10 : index
      %swap3A_134 = arith.constant 0 : index
      %swap3A_135 = arith.constant 0 : index
      %swap3A_136 = vector.load %arg10[%swap3A_133, %swap3A_134, %swap3A_135] : memref<16x144x64xf32, #tpu.memory_space<vmem>>, vector<1x144x64xf32>
      %swap3A_137 = vector.shape_cast %swap3A_136 : vector<1x144x64xf32> to vector<144x64xf32>
      %swap3A_138 = vector.shape_cast %slice3A_132 : vector<144x64xf32> to vector<1x144x64xf32>
      tpu.vector_store %arg10[%swap3A_133, %swap3A_134, %swap3A_135], %swap3A_138 {strides = array<i32>} : memref<16x144x64xf32, #tpu.memory_space<vmem>>, vector<1x144x64xf32>,
      %slice3A_139 = vector.extract_strided_slice %transpose3A_61 {offsets = [0, 704], sizes = [144, 64], strides = [1, 1]} : vector<144x1024xf32> to vector<144x64xf32>
      %swap3A_140 = arith.constant 11 : index
      %swap3A_141 = arith.constant 0 : index
      %swap3A_142 = arith.constant 0 : index
      %swap3A_143 = vector.load %arg10[%swap3A_140, %swap3A_141, %swap3A_142] : memref<16x144x64xf32, #tpu.memory_space<vmem>>, vector<1x144x64xf32>
      %swap3A_144 = vector.shape_cast %swap3A_143 : vector<1x144x64xf32> to vector<144x64xf32>
      %swap3A_145 = vector.shape_cast %slice3A_139 : vector<144x64xf32> to vector<1x144x64xf32>
      tpu.vector_store %arg10[%swap3A_140, %swap3A_141, %swap3A_142], %swap3A_145 {strides = array<i32>} : memref<16x144x64xf32, #tpu.memory_space<vmem>>, vector<1x144x64xf32>,
      %slice3A_146 = vector.extract_strided_slice %transpose3A_61 {offsets = [0, 768], sizes = [144, 64], strides = [1, 1]} : vector<144x1024xf32> to vector<144x64xf32>
      %swap3A_147 = arith.constant 12 : index
      %swap3A_148 = arith.constant 0 : index
      %swap3A_149 = arith.constant 0 : index
      %swap3A_150 = vector.load %arg10[%swap3A_147, %swap3A_148, %swap3A_149] : memref<16x144x64xf32, #tpu.memory_space<vmem>>, vector<1x144x64xf32>
      %swap3A_151 = vector.shape_cast %swap3A_150 : vector<1x144x64xf32> to vector<144x64xf32>
      %swap3A_152 = vector.shape_cast %slice3A_146 : vector<144x64xf32> to vector<1x144x64xf32>
      tpu.vector_store %arg10[%swap3A_147, %swap3A_148, %swap3A_149], %swap3A_152 {strides = array<i32>} : memref<16x144x64xf32, #tpu.memory_space<vmem>>, vector<1x144x64xf32>,
      %slice3A_153 = vector.extract_strided_slice %transpose3A_61 {offsets = [0, 832], sizes = [144, 64], strides = [1, 1]} : vector<144x1024xf32> to vector<144x64xf32>
      %swap3A_154 = arith.constant 13 : index
      %swap3A_155 = arith.constant 0 : index
      %swap3A_156 = arith.constant 0 : index
      %swap3A_157 = vector.load %arg10[%swap3A_154, %swap3A_155, %swap3A_156] : memref<16x144x64xf32, #tpu.memory_space<vmem>>, vector<1x144x64xf32>
      %swap3A_158 = vector.shape_cast %swap3A_157 : vector<1x144x64xf32> to vector<144x64xf32>
      %swap3A_159 = vector.shape_cast %slice3A_153 : vector<144x64xf32> to vector<1x144x64xf32>
      tpu.vector_store %arg10[%swap3A_154, %swap3A_155, %swap3A_156], %swap3A_159 {strides = array<i32>} : memref<16x144x64xf32, #tpu.memory_space<vmem>>, vector<1x144x64xf32>,
      %slice3A_160 = vector.extract_strided_slice %transpose3A_61 {offsets = [0, 896], sizes = [144, 64], strides = [1, 1]} : vector<144x1024xf32> to vector<144x64xf32>
      %swap3A_161 = arith.constant 14 : index
      %swap3A_162 = arith.constant 0 : index
      %swap3A_163 = arith.constant 0 : index
      %swap3A_164 = vector.load %arg10[%swap3A_161, %swap3A_162, %swap3A_163] : memref<16x144x64xf32, #tpu.memory_space<vmem>>, vector<1x144x64xf32>
      %swap3A_165 = vector.shape_cast %swap3A_164 : vector<1x144x64xf32> to vector<144x64xf32>
      %swap3A_166 = vector.shape_cast %slice3A_160 : vector<144x64xf32> to vector<1x144x64xf32>
      tpu.vector_store %arg10[%swap3A_161, %swap3A_162, %swap3A_163], %swap3A_166 {strides = array<i32>} : memref<16x144x64xf32, #tpu.memory_space<vmem>>, vector<1x144x64xf32>,
      %slice3A_167 = vector.extract_strided_slice %transpose3A_61 {offsets = [0, 960], sizes = [144, 64], strides = [1, 1]} : vector<144x1024xf32> to vector<144x64xf32>
      %swap3A_168 = arith.constant 15 : index
      %swap3A_169 = arith.constant 0 : index
      %swap3A_170 = arith.constant 0 : index
      %swap3A_171 = vector.load %arg10[%swap3A_168, %swap3A_169, %swap3A_170] : memref<16x144x64xf32, #tpu.memory_space<vmem>>, vector<1x144x64xf32>
      %swap3A_172 = vector.shape_cast %swap3A_171 : vector<1x144x64xf32> to vector<144x64xf32>
      %swap3A_173 = vector.shape_cast %slice3A_167 : vector<144x64xf32> to vector<1x144x64xf32>
      tpu.vector_store %arg10[%swap3A_168, %swap3A_169, %swap3A_170], %swap3A_173 {strides = array<i32>} : memref<16x144x64xf32, #tpu.memory_space<vmem>>, vector<1x144x64xf32>,
    } else {
    }
    return
  }
  func.func @transform_0(%arg0: i32) -> (i32, i32) {
    %c0_i32 = arith.constant 0 : i32
    %c0_i32_0 = arith.constant 0 : i32
    %c0_i32_1 = arith.constant 0 : i32
    return %c0_i32, %c0_i32_0 : i32, i32
  }
  func.func @transform_1(%arg0: i32) -> (i32, i32) {
    %c0_i32 = arith.constant 0 : i32
    %c0_i32_0 = arith.constant 0 : i32
    return %arg0, %c0_i32 : i32, i32
  }
  func.func @transform_2(%arg0: i32) -> (i32, i32) {
    %c0_i32 = arith.constant 0 : i32
    %c0_i32_0 = arith.constant 0 : i32
    %c0_i32_1 = arith.constant 0 : i32
    return %c0_i32, %c0_i32_0 : i32, i32
  }
  func.func @transform_3(%arg0: i32) -> (i32, i32) {
    %c0_i32 = arith.constant 0 : i32
    %c0_i32_0 = arith.constant 0 : i32
    %c0_i32_1 = arith.constant 0 : i32
    return %c0_i32, %c0_i32_0 : i32, i32
  }
  func.func @transform_4(%arg0: i32) -> (i32, i32) {
    %c0_i32 = arith.constant 0 : i32
    %c0_i32_0 = arith.constant 0 : i32
    %c0_i32_1 = arith.constant 0 : i32
    return %c0_i32, %c0_i32_0 : i32, i32
  }
  func.func @transform_5(%arg0: i32) -> (i32, i32) {
    %c0_i32 = arith.constant 0 : i32
    %c0_i32_0 = arith.constant 0 : i32
    %c0_i32_1 = arith.constant 0 : i32
    return %c0_i32, %c0_i32_0 : i32, i32
  }
  func.func @transform_6(%arg0: i32) -> (i32, i32) {
    %c0_i32 = arith.constant 0 : i32
    %c0_i32_0 = arith.constant 0 : i32
    %c0_i32_1 = arith.constant 0 : i32
    return %c0_i32, %c0_i32_0 : i32, i32
  }
  func.func @transform_7(%arg0: i32) -> (i32, i32) {
    %c0_i32 = arith.constant 0 : i32
    %c0_i32_0 = arith.constant 0 : i32
    %c0_i32_1 = arith.constant 0 : i32
    return %c0_i32, %c0_i32_0 : i32, i32
  }
  func.func @transform_8(%arg0: i32) -> (i32, i32) {
    %c0_i32 = arith.constant 0 : i32
    %c0_i32_0 = arith.constant 0 : i32
    %c0_i32_1 = arith.constant 0 : i32
    return %c0_i32, %c0_i32_0 : i32, i32
  }
  func.func @transform_9(%arg0: i32) -> (i32, i32, i32) {
    %c0_i32 = arith.constant 0 : i32
    %c0_i32_0 = arith.constant 0 : i32
    %c0_i32_1 = arith.constant 0 : i32
    %c0_i32_2 = arith.constant 0 : i32
    return %c0_i32, %c0_i32_0, %c0_i32_1 : i32, i32, i32
  }
}

</mosaic_0001>

<sc_bundles>
// kernel: kernel.4.cloned.1.call-start
scs
__scs_entry_jumppad:
0x0: {  	(pc) =	sbr.rel $0x88, $3  }
0x1: {  	(tag) =	ssettag $0x0;
	lr =	simm.s32 $0x1  }
0x2: {  	[smem:$0x3F98] =	sst lr;
	_ =	strace $0xD0000000  }
0x3: {  	_ = 	snop  }
0x4: {  	_ = 	snop  }
0x5: {  	_ = 	snop  }
0x6: {  	_ = 	snop  }
0x7: {  	_ = 	snop  }
__scs_overlays_trampoline_lowered:
0x8: {  	[smem:$0x3FA7] =	sst s0  }
0x9: {  	[smem:$0x3FA8] =	sst s1  }
0xa: {  	[smem:$0x3FA9] =	sst s2  }
0xb: {  	[smem:$0x3FAA] =	sst s3  }
0xc: {  	[smem:$0x3FAB] =	sst s4  }
0xd: {  	[smem:$0x3FAC] =	sst s5  }
0xe: {  	[smem:$0x3FAD] =	sst s6  }
0xf: {  	[smem:$0x3FAE] =	sst s7  }
0x10: {  	[smem:$0x3FAF] =	sst s8  }
0x11: {  	[smem:$0x3FB0] =	sst s9;
	s0 =	simm.s32 @!p0 $0x0  }
0x12: {  	s1 =	sld [smem:$0x3F96];
	s0 =	simm.s32 @p0 $0x1  }
0x13: {  	[smem:$0x3FB1] =	sst s0;
	s0 =	simm.s32 @!p1 $0x0  }
0x14: {  	s2 =	sld [smem:$0x3F95];
	s0 =	simm.s32 @p1 $0x1  }
0x15: {  	[smem:$0x3FB2] =	sst s0;
	s0 =	simm.s32 @!p2 $0x0  }
0x16: {  	s3 =	sld [smem:$0x3FDB];
	s0 =	simm.s32 @p2 $0x1  }
0x17: {  	s4 =	simm.s32 $0x1BF5;
	[smem:$0x3FB4] =	sst s0  }
0x18: {  	s0 =	sld [smem:$0x3F97];
	_ =	swait.ge [sflag:s4], $0x0  }
0x19: {  	s7 =	sld [smem:$0x3F98]  }
0x1a: {  	s8 =	sadd.s32 $0xFFFFE003, lr  }
0x1b: {  	s9 =	sadd.s32 $0xFFFFFEF7, lr;
	s5 =	simm.s32 $0xFFFFFFFF;
	p2 =	slt.u32 s8, $0xFFFFF086  }
0x1c: {  	p1 =	slt.u32 s9, $0xF7A;
	s5 =	simm.s32 @!p2 $0x0  }
0x1d: {  	s5 =	simm.s32 @p1 $0x1;
	p0 =	seq.s32 s7, s2  }
0x1e: {  	s7 =	smul.u32 @!p0 $0xF7A, s2;
	p2 =	seq.s32 @!p0 s5, $0x0  }
0x1f: {  	s9 =	smul.u32 $0xF7A, s1;
	s8 =	simm.s32 @!p0 $0x1BF5;
	p2 =	por !p2, p0  }
0x20: {  	[sflag:s8] =	ssyncset.s32 @!p0 $0xFFFFF086;
	s6 =	sadd.s32 @!p0 s3, s7;
	s7 =	simm.s32 @!p0 $0x108  }
0x21: {  	s3 =	sadd.s32 s3, s9;
	s6 =	sadd.s32 @!p0 $0x88, s6;
	s7 =	simm.s32 @p2 $0x1082  }
0x22: {  	[simem:s7], [sflag:s8] =	dma.local @!p0 [hbm:s6], $0xF7A  }
0x23: {  	s9 =	sor.u32 $0xD0000000, s2;
	s6 =	simm.s32 $0x108;
	_ =	swait.ge @!p0 [sflag:s8], $0x0  }
0x24: {  	s3 =	sadd.s32 $0x88, s3;
	s6 =	simm.s32 @!p1 $0x1082;
	[sflag:s4] =	ssyncset.s32 $0xFFFFF086  }
0x25: {  	[simem:s6], [sflag:s4] =	dma.local [hbm:s3], $0xF7A  }
0x26: {  	[smem:$0x3F98] =	sst s1;
	(tag) =	ssettag s2;
	_ =	strace s9  }
0x27: {  	s1 =	sld [smem:$0x3FA8]  }
0x28: {  	s2 =	sld [smem:$0x3FA9]  }
0x29: {  	s4 =	sld [smem:$0x3FAB]  }
0x2a: {  	p0 =	seq.s32 s5, $0x0;
	s5 =	sld [smem:$0x3FAC]  }
0x2b: {  	s6 =	sld [smem:$0x3FAD]  }
0x2c: {  	s7 =	sld [smem:$0x3FAE]  }
0x2d: {  	s3 =	simm.s32 $0x108;
	s8 =	sld [smem:$0x3FAF]  }
0x2e: {  	s3 =	simm.s32 @!p0 $0x1082;
	s9 =	sld [smem:$0x3FB0]  }
0x2f: {  	lr =	sadd.s32 s0, s3;
	s0 =	sld [smem:$0x3FA7]  }
0x30: {  	s3 =	sld [smem:$0x3FAA]  }
0x31: {  	[smem:$0x3FB3] =	sst s10  }
0x32: {  	s10 =	sld [smem:$0x3FB1];
	_ =	sdelay $0x3  }
0x33: {  	p0 =	seq.s32 s10, $0x1;
	s10 =	sld [smem:$0x3FB3];
	_ =	sdelay $0x3  }
0x34: {  	[smem:$0x3FB3] =	sst s10  }
0x35: {  	s10 =	sld [smem:$0x3FB2];
	_ =	sdelay $0x3  }
0x36: {  	p1 =	seq.s32 s10, $0x1;
	s10 =	sld [smem:$0x3FB3];
	_ =	sdelay $0x3  }
0x37: {  	[smem:$0x3FB3] =	sst s10  }
0x38: {  	s10 =	sld [smem:$0x3FB4]  }
0x39: {  	_ = 	snop;
	(pc) =	sbr.ind lr, $3  }
0x3a: {  	_ = 	snop  }
0x3b: {  	_ = 	snop  }
0x3c: {  	p2 =	seq.s32 s10, $0x1;
	s10 =	sld [smem:$0x3FB3]  }
0x3d: {  	_ =	shalt  }
0x3e: {  	_ =	shalt  }
0x3f: {  	_ =	shalt  }
0x40: {  	_ =	shalt  }
0x41: {  	_ =	shalt  }
0x42: {  	_ =	shalt  }
0x43: {  	_ =	shalt  }
0x44: {  	_ =	shalt  }
0x45: {  	_ =	shalt  }
0x46: {  	_ =	shalt  }
0x47: {  	_ =	shalt  }
0x48: {  	_ =	shalt  }
0x49: {  	_ =	shalt  }
0x4a: {  	_ =	shalt  }
0x4b: {  	_ =	shalt  }
0x4c: {  	_ =	shalt  }
0x4d: {  	_ =	shalt  }
0x4e: {  	_ =	shalt  }
0x4f: {  	_ =	shalt  }
0x50: {  	_ =	shalt  }
0x51: {  	_ =	shalt  }
0x52: {  	_ =	shalt  }
0x53: {  	_ =	shalt  }
0x54: {  	_ =	shalt  }
0x55: {  	_ =	shalt  }
0x56: {  	_ =	shalt  }
0x57: {  	_ =	shalt  }
0x58: {  	_ =	shalt  }
0x59: {  	_ =	shalt  }
0x5a: {  	_ =	shalt  }
0x5b: {  	_ =	shalt  }
0x5c: {  	_ =	shalt  }
0x5d: {  	_ =	shalt  }
0x5e: {  	_ =	shalt  }
0x5f: {  	_ =	shalt  }
0x60: {  	_ =	shalt  }
0x61: {  	_ =	shalt  }
0x62: {  	_ =	shalt  }
0x63: {  	_ =	shalt  }
0x64: {  	_ =	shalt  }
0x65: {  	_ =	shalt  }
0x66: {  	_ =	shalt  }
0x67: {  	_ =	shalt  }
0x68: {  	_ =	shalt  }
0x69: {  	_ =	shalt  }
0x6a: {  	_ =	shalt  }
0x6b: {  	_ =	shalt  }
0x6c: {  	_ =	shalt  }
0x6d: {  	_ =	shalt  }
0x6e: {  	_ =	shalt  }
0x6f: {  	_ =	shalt  }
0x70: {  	_ =	shalt  }
0x71: {  	_ =	shalt  }
0x72: {  	_ =	shalt  }
0x73: {  	_ =	shalt  }
0x74: {  	_ =	shalt  }
0x75: {  	_ =	shalt  }
0x76: {  	_ =	shalt  }
0x77: {  	_ =	shalt  }
0x78: {  	_ =	shalt  }
0x79: {  	_ =	shalt  }
0x7a: {  	_ =	shalt  }
0x7b: {  	_ =	shalt  }
0x7c: {  	_ =	shalt  }
0x7d: {  	_ =	shalt  }
0x7e: {  	_ =	shalt  }
0x7f: {  	_ =	shalt  }
0x80: {  	_ =	shalt  }
0x81: {  	_ =	shalt  }
0x82: {  	_ =	shalt  }
0x83: {  	_ =	shalt  }
0x84: {  	_ =	shalt  }
0x85: {  	_ =	shalt  }
0x86: {  	_ =	shalt  }
0x87: {  	_ =	shalt  }
.Lfunc_end0:
.L_simem_size_0:
called_computation_lowered:
.L_overlay_start_0:
0x88: {  	s0 =	sld [smem:$0x3FD9]  }
0x89: {  	s1 =	sld [smem:$0x3FFE];
	_ =	sdelay $0x3  }
0x8a: {  	s0 =	sadd.s32 s1, s0  }
0x8b: {  	[smem:$0x3FBF] =	sst s0  }
0x8c: {  	_ = 	snop  }
0x8d: {  	s0 =	sld [smem:$0x3FD0];
	(tm) =	ssettm $0x1  }
0x8e: {  	s16 =	sld [smem:$0x3FFB];
	_ =	sdelay $0x3  }
0x8f: {  	_ =	strace s16  }
0x90: {  	s1 =	sld [smem:$0x3FFC];
	_ =	sdelay $0x3  }
0x91: {  	_ =	strace s1  }
0x92: {  	s1 =	sld [smem:$0x3FFD];
	_ =	sdelay $0x3  }
0x93: {  	_ =	strace s1  }
0x94: {  	_ =	strace $0x8FFFFFFF  }
0x95: {  	s17 =	sld [smem:$0x3FDB];
	_ =	sdelay $0x1  }
0x96: {  	s2 =	simm.s32 $_scs_section_size  }
0x97: {  	s3 =	simm.s32 $_size__tile_overlayer_lowered;
	s4 =	simm.s32 $_tile_overlayer_lowered  }
0x98: {  	s20 =	simm.s32 $0x1BFF;
	s19 =	sshll.u32 s4, $0x1;
	s1 =	sadd.s32 s2, s17  }
0x99: {  	s5 =	simm.s32 $0x0;
	s18 =	sshll.u32 s3, $0x1;
	s3 =	sadd.s32 s19, s1  }
0x9a: {  	[timem:s5], [sflag:s20] =	dma.local [hbm:s3], s18  }
0x9b: {  	_ =	swait.ge [sflag:s20], s18  }
0x9c: {  	s2 =	ssub.s32 $0x0, s18;
	[sflag:s20] =	ssyncset.done $0x0  }
0x9d: {  	[sflag:s20] =	ssyncadd.s32 s2;
	_ =	sdelay $0x1  }
0x9e: {  	s21 =	simm.s32 $0x1B8B  }
0x9f: {  	_ =	swait.ge [sflag:s21], $0x1  }
0xa0: {  	[sflag:s21] =	ssyncset.done $0x0  }
0xa1: {  	s23 =	simm.s32 $0x1B8E;
	s22 =	sld [smem:$0x3FFE];
	[sflag:s21] =	ssyncadd.s32 $0xFFFFFFFF  }
0xa2: {  	s24 =	simm.s32 $execute0_lowered;
	[smem:$0x3FD2] =	sst s23  }
0xa3: {  	s3 =	sshll.u32 s24, $0x1;
	_ =	strace $0x80000046;
	[dreg:$0x1] =	wrdreg $0xFFFFFFFF  }
0xa4: {  	s25 =	simm.s32 $_size_execute0_lowered;
	s1 =	sadd.s32 s1, s3;
	[dreg:$0x0] =	wrdreg $0x0  }
0xa5: {  	s3 =	sshll.u32 s25, $0x1;
	[dreg:$0x2] =	wrdreg s1  }
0xa6: {  	[dreg:$0x3] =	wrdreg s3  }
0xa7: {  	[dreg:$0x4] =	wrdreg $0xC0  }
0xa8: {  	_ =	task [dreg:s5], $0x5FFFF  }
0xa9: {  	[dreg:$0x1] =	wrdreg $0xFFFFFFFF  }
0xaa: {  	[dreg:$0x0] =	wrdreg $0x60  }
0xab: {  	[dreg:$0x2] =	wrdreg s22  }
0xac: {  	[dreg:$0x3] =	wrdreg s0  }
0xad: {  	[dreg:$0x4] =	wrdreg $0x65800  }
0xae: {  	[dreg:$0x5] =	wrdreg $0x65900  }
0xaf: {  	[dreg:$0x6] =	wrdreg $0x65A00  }
0xb0: {  	[dreg:$0x7] =	wrdreg $0x9  }
0xb1: {  	_ =	task.clear_ibuf [dreg:s5], $0x8FFFF;
	_ =	strace $0x90000046  }
0xb2: {  	s26 =	simm.s32 $0x9;
	_ =	strace $0x80000048  }
0xb3: {  	_ =	swait.ge [sflag:s26], $0x1  }
0xb4: {  	[sflag:s26] =	ssyncadd.s32 $0xFFFFFFFF  }
0xb5: {  	_ =	strace $0x90000048  }
0xb6: {  	_ =	sfence  }
0xb7: {  	s28 =	sld [smem:$0x0];
	_ =	sdelay $0x1  }
0xb8: {  	s29 =	srdreg.scid  }
0xb9: {  	s30 =	sshll.u32 s29, $0xD;
	s31 =	sshrl.u32 s29, $0x2  }
0xba: {  	s2 =	sand.u32 $0x4000, s30;
	s1 =	sand.u32 $0x1, s29;
	s0 =	sadd.s32 s31, s28  }
0xbb: {  	s1 =	sor.u32 s2, s1;
	s0 =	sshll.u32 s0, $0x11  }
0xbc: {  	s0 =	sor.u32 s0, s1  }
0xbd: {  	s0 =	sadd.s32 $0x8F2B, s0  }
0xbe: {  	[sflag:s0] =	ssyncadd.remote.s32 $0x1  }
0xbf: {  	_ =	sfence.sel $0xFFFF  }
0xc0: {  	[dreg:$0x0] =	wrdreg $0xFFFFFFFF;
	(pc) =	sbr.abs _section_cstart, $3  }
0xc1: {  	[dreg:$0x1] =	wrdreg $0xFFFFFFFF  }
0xc2: {  	_ =	task.clear_ibuf [dreg:s5], $0x2FFFF;
	_ =	strace $0x9FFFFFFF  }
0xc3: {  	(tm) =	ssettm $0x7FFFFFFF  }
tec
execute0_lowered:
.L_overlay_start_1:
0x0: {  	(tag) =	ssettag $0x1  }
0x1: {  	s5 =	rddreg [dreg:$0x0]  }
0x2: {  	s7 =	rddreg [dreg:$0x1]  }
0x3: {  	s1 =	rddreg [dreg:$0x2]  }
0x4: {  	s2 =	rddreg [dreg:$0x3]  }
0x5: {  	s3 =	rddreg [dreg:$0x4];
	s6 =	simm.s32 $0x0  }
0x6: {  	[smem:$0x7FF] =	sst s6  }
0x7: {  	s0 =	rddreg [dreg:$0x5];
	v0 =	vimm.f32 $2.000000000e+00;
	_ =	strace $0x80000047  }
0x8: {  	(erf) = vrcp.f32 v0;
	_ =	sdelay $0x3  }
0x9: {  	s4 =	stileid.u32  }
0xa: {  	s8 =	smul.u32 $0x900, s4;
	_ =	sdelay $0x1  }
0xb: {  	s8 =	sadd.s32 s8, s5  }
0xc: {  	s26 =	simm.s32 $0x1;
	s8 =	sadd.s32 $0x1A00, s8  }
0xd: {  	[tilespmem:s6], [sflag:$0x1] =	stream.linear.gather [hbm4b:s8+s6], $0x4800, $0x38;
	v0 =	vpop (erf);
	[tilespmem:$0x65A8] =	vst v63  }
0xe: {  	s9 =	smul.u32 $0x168, s4;
	_ =	swait.ge [sflag:s26], $0x4800  }
0xf: {  	[sflag:s26] =	ssyncset.done $0x0  }
0x10: {  	s28 =	simm.s32 $0x4800;
	s7 =	sadd.s32 s7, s9;
	[sflag:s26] =	ssyncadd.s32 $0xFFFFB800  }
0x11: {  	[tilespmem:s28], [sflag:$0x1] =	stream.linear.gather [hbm4b:s7+s6], $0xB40, $0x38;
	[tilespmem:$0x65A8] =	vst v63  }
0x12: {  	s29 =	simm.s32 $0x0;
	_ =	swait.ge [sflag:s26], $0xB40  }
0x13: {  	s30 =	sand.u32 $0x30, s6;
	s7 =	sand.u32 $0x3FFFFC00, s29;
	[sflag:s26] =	ssyncset.done $0x0  }
0x14: {  	s7 =	sor.u32 s30, s7;
	[sflag:s26] =	ssyncadd.s32 $0xFFFFF4C0  }
0x15: {  	v1 =	vld [tilespmem:s7+$0x100]  }
0x16: {  	v2 =	vld [tilespmem:s7+$0x180];
	_ =	sdelay $0x3  }
0x17: {  	v1 =	vmul.f32 $1.442695020e+00, v1  }
0x18: {  	v2 =	vmul.f32 $1.442695020e+00, v2  }
0x19: {  	(erf) = vpow2.f32 v1  }
0x1a: {  	s8 =	simm.s32 $0x0;
	(erf) = vpow2.f32 v2  }
0x1b: {  	v3 =	vld [tilespmem:s8+$0x4800]  }
0x1c: {  	v4 =	vld [tilespmem:s8+$0x4A40]  }
0x1d: {  	v1 =	vld [tilespmem:s7+$0x80]  }
0x1e: {  	v2 =	vld [tilespmem:s7+$0x0];
	_ =	sdelay $0x1  }
0x1f: {  	s31 =	sand.u32 $0x3F0, s6;
	v6 =	vld [tilespmem:s8+$0x4EC0]  }
0x20: {  	v5 =	vld [tilespmem:s31+$0x4C80]  }
0x21: {  	v7 =	vpop (erf)  }
0x22: {  	v1 =	vmul.f32 v4, v1;
	v2 =	vmul.f32 v3, v2;
	v60 =	vpop (erf)  }
0x23: {  	v3 =	vmul.f32 v7, v3;
	v4 =	vmul.f32 v60, v4  }
0x24: {  	v1 =	vadd.f32 v6, v1  }
0x25: {  	v2 =	vadd.f32 v5, v2;
	v61 =	vmul.f32 v3, v0;
	v62 =	vmul.f32 v4, v0;
	_ =	sdelay $0x1  }
0x26: {  	v2 =	vsub.f32 v2, v61;
	v1 =	vsub.f32 v1, v62;
	_ =	sdelay $0x1  }
0x27: {  	v3 =	vadd.f32 v2, v3;
	v4 =	vadd.f32 v1, v4  }
0x28: {  	v2 =	vmax.f32 v2, $0.0e+00;
	v1 =	vmax.f32 v1, $0.0e+00  }
0x29: {  	v2 =	vmin.f32 v2, $5.120000000e+02;
	v3 =	vmax.f32 v3, $0.0e+00;
	v4 =	vmax.f32 v4, $0.0e+00  }
0x2a: {  	v1 =	vmin.f32 v1, $5.120000000e+02;
	v3 =	vmin.f32 v3, $5.120000000e+02;
	v4 =	vmin.f32 v4, $5.120000000e+02  }
0x2b: {  	[tilespmem:s8+$0x5880] =	vst v3;
	v3 =	vsub.f32 v3, v2;
	v63 =	vsub.f32 v4, v1  }
0x2c: {  	[tilespmem:s8+$0x5380] =	vst v2  }
0x2d: {  	s10 =	simm.s32 $0x0;
	[tilespmem:s8+$0x5600] =	vst v1;
	v2 =	vmul.f32 v63, v3  }
0x2e: {  	s10 =	sand.u32 $0x3FFFFF80, s10;
	[tilespmem:s8+$0x5B00] =	vst v4  }
0x2f: {  	s9 =	sor.u32 s30, s10;
	[tilespmem:s8+$0x5D80] =	vst v2  }
0x30: {  	v1 =	vld [tilespmem:s9+$0x2400]  }
0x31: {  	v2 =	vld [tilespmem:s31+$0x5100]  }
0x32: {  	s5 =	sadd.s32 $0xAA00, s5  }
0x33: {  	s10 =	simm.s32 $0x80;
	s7 =	simm.s32 $0x1;
	s9 =	simm.s32 $0x40  }
.LBB2_1:
0x34: {  	p0 =	sne.s32 s10, $0x8C0  }
0x35: {  	s12 =	sshll.u32 s7, $0x8;
	s6 =	sadd.s32 $0x10, s6;
	s13 =	smov.u32 s10  }
0x36: {  	s10 =	sadd.s32 $0x40, s10;
	s11 =	sand.u32 $0x30, s6;
	s12 =	sand.u32 $0x3FFFFC00, s12;
	v1 =	vadd.f32 v2, v1  }
0x37: {  	s12 =	sor.u32 s11, s12  }
0x38: {  	[tilespmem:s8+$0x6000] =	vst v1  }
0x39: {  	v1 =	vld [tilespmem:s12+$0x100]  }
0x3a: {  	v2 =	vld [tilespmem:s12+$0x180];
	_ =	sdelay $0x3  }
0x3b: {  	v1 =	vmul.f32 $1.442695020e+00, v1  }
0x3c: {  	v2 =	vmul.f32 $1.442695020e+00, v2  }
0x3d: {  	(erf) = vpow2.f32 v1  }
0x3e: {  	(erf) = vpow2.f32 v2;
	_ =	sdelay $0x1  }
0x3f: {  	v1 =	vld [tilespmem:s12+$0x80]  }
0x40: {  	s8 =	sshra.s32 s9, $0x2;
	s9 =	smov.u32 s13;
	v2 =	vld [tilespmem:s12+$0x0]  }
0x41: {  	v3 =	vld [tilespmem:s8+$0x4800]  }
0x42: {  	s12 =	sand.u32 $0x3F0, s6;
	v4 =	vld [tilespmem:s8+$0x4A40]  }
0x43: {  	v5 =	vld [tilespmem:s12+$0x4C80]  }
0x44: {  	v6 =	vld [tilespmem:s8+$0x4EC0]  }
0x45: {  	v7 =	vpop (erf)  }
0x46: {  	v2 =	vmul.f32 v3, v2;
	v3 =	vmul.f32 v7, v3;
	v7 =	vpop (erf)  }
0x47: {  	v1 =	vmul.f32 v4, v1;
	v4 =	vmul.f32 v7, v4  }
0x48: {  	v2 =	vadd.f32 v5, v2;
	v5 =	vmul.f32 v3, v0  }
0x49: {  	v1 =	vadd.f32 v6, v1;
	v6 =	vmul.f32 v4, v0  }
0x4a: {  	v2 =	vsub.f32 v2, v5  }
0x4b: {  	v1 =	vsub.f32 v1, v6  }
0x4c: {  	v5 =	vmax.f32 v2, $0.0e+00;
	v2 =	vadd.f32 v2, v3  }
0x4d: {  	v3 =	vmax.f32 v1, $0.0e+00;
	v1 =	vadd.f32 v1, v4  }
0x4e: {  	v2 =	vmax.f32 v2, $0.0e+00  }
0x4f: {  	v2 =	vmin.f32 v2, $5.120000000e+02;
	v1 =	vmax.f32 v1, $0.0e+00  }
0x50: {  	v4 =	vmin.f32 v5, $5.120000000e+02;
	v3 =	vmin.f32 v3, $5.120000000e+02;
	v1 =	vmin.f32 v1, $5.120000000e+02;
	[tilespmem:s8+$0x5880] =	vst v2  }
0x51: {  	v2 =	vsub.f32 v2, v4;
	[tilespmem:s8+$0x5B00] =	vst v1;
	v1 =	vsub.f32 v1, v3  }
0x52: {  	[tilespmem:s8+$0x5380] =	vst v4  }
0x53: {  	s13 =	sshll.u32 s7, $0x5;
	[tilespmem:s8+$0x5600] =	vst v3;
	v1 =	vmul.f32 v1, v2  }
0x54: {  	s13 =	sand.u32 $0x3FFFFF80, s13  }
0x55: {  	s11 =	sor.u32 s11, s13;
	[tilespmem:s8+$0x5D80] =	vst v1  }
.Ltmp0:
0x56: {  	v1 =	vld [tilespmem:s11+$0x2400];
	(pc) =	sbr.rel @p0 .LBB2_1-.Ltmp0, $2  }
0x57: {  	v2 =	vld [tilespmem:s12+$0x5100];
	_ =	sdelay $0x2  }
0x58: {  	s7 =	sadd.s32 $0x1, s7  }
0x59: {  	_ = 	snop  }
0x5a: {  	s10 =	sshll.u32 s7, $0x8;
	s6 =	sadd.s32 $0x10, s6;
	v1 =	vadd.f32 v2, v1  }
0x5b: {  	s11 =	sand.u32 $0x30, s6;
	s10 =	sand.u32 $0x3FFFFC00, s10  }
0x5c: {  	s10 =	sor.u32 s11, s10;
	[tilespmem:s8+$0x6000] =	vst v1  }
0x5d: {  	v1 =	vld [tilespmem:s10+$0x100]  }
0x5e: {  	v2 =	vld [tilespmem:s10+$0x180];
	_ =	sdelay $0x3  }
0x5f: {  	v1 =	vmul.f32 $1.442695020e+00, v1  }
0x60: {  	v2 =	vmul.f32 $1.442695020e+00, v2  }
0x61: {  	(erf) = vpow2.f32 v1  }
0x62: {  	s13 =	sshra.s32 s9, $0x2;
	(erf) = vpow2.f32 v2  }
0x63: {  	v3 =	vld [tilespmem:s13+$0x4800]  }
0x64: {  	v4 =	vld [tilespmem:s13+$0x4A40]  }
0x65: {  	v1 =	vld [tilespmem:s10+$0x80]  }
0x66: {  	v2 =	vld [tilespmem:s10+$0x0];
	_ =	sdelay $0x1  }
0x67: {  	s6 =	sand.u32 $0x3F0, s6;
	v6 =	vld [tilespmem:s13+$0x4EC0]  }
0x68: {  	v5 =	vld [tilespmem:s6+$0x4C80]  }
0x69: {  	v1 =	vmul.f32 v4, v1;
	v7 =	vpop (erf)  }
0x6a: {  	v2 =	vmul.f32 v3, v2;
	v3 =	vmul.f32 v7, v3;
	v7 =	vpop (erf)  }
0x6b: {  	v4 =	vmul.f32 v7, v4  }
0x6c: {  	v1 =	vadd.f32 v6, v1  }
0x6d: {  	v2 =	vadd.f32 v5, v2;
	v5 =	vmul.f32 v3, v0;
	v0 =	vmul.f32 v4, v0;
	_ =	sdelay $0x1  }
0x6e: {  	v2 =	vsub.f32 v2, v5;
	v0 =	vsub.f32 v1, v0;
	_ =	sdelay $0x1  }
0x6f: {  	v1 =	vadd.f32 v2, v3;
	v3 =	vadd.f32 v0, v4  }
0x70: {  	v2 =	vmax.f32 v2, $0.0e+00;
	v0 =	vmax.f32 v0, $0.0e+00  }
0x71: {  	v2 =	vmin.f32 v2, $5.120000000e+02;
	v1 =	vmax.f32 v1, $0.0e+00;
	v3 =	vmax.f32 v3, $0.0e+00  }
0x72: {  	v0 =	vmin.f32 v0, $5.120000000e+02;
	v1 =	vmin.f32 v1, $5.120000000e+02;
	v3 =	vmin.f32 v3, $5.120000000e+02  }
0x73: {  	[tilespmem:s13+$0x5880] =	vst v1;
	v1 =	vsub.f32 v1, v2;
	v4 =	vsub.f32 v3, v0  }
0x74: {  	[tilespmem:s13+$0x5380] =	vst v2  }
0x75: {  	s30 =	sshll.u32 s7, $0x5;
	[tilespmem:s13+$0x5600] =	vst v0;
	v1 =	vmul.f32 v4, v1  }
0x76: {  	s7 =	sand.u32 $0x3FFFFF80, s30;
	[tilespmem:s13+$0x5B00] =	vst v3  }
0x77: {  	v8 =	vimm.s32 $0x67452301;
	s7 =	sor.u32 s11, s7;
	[tilespmem:s13+$0x5D80] =	vst v1  }
0x78: {  	v6 =	vimm.s32 $0xEFCDAB89;
	v5 =	vimm.s32 $0x54761032;
	v0 =	vld [tilespmem:s7+$0x2400]  }
0x79: {  	v8 =	vunpack.c.l.s4.s8 v8;
	v2 =	vimm.s32 $0xBA98FEDC;
	v3 =	vimm.s32 $0x32107654;
	v1 =	vld [tilespmem:s6+$0x5100]  }
0x7a: {  	v2 =	vunpack.c.l.s4.s8 v2;
	v3 =	vunpack.c.l.s4.s8 v3;
	v4 =	vimm.s32 $0xDCFE98BA  }
0x7b: {  	v6 =	vunpack.c.l.s4.s8 v6;
	v5 =	vunpack.c.l.s4.s8 v5;
	v4 =	vunpack.c.l.s4.s8 v4  }
0x7c: {  	v8 =	vunpack.c.0.s8.s32 v8;
	v2 =	vunpack.c.0.s8.s32 v2;
	v3 =	vunpack.c.0.s8.s32 v3  }
0x7d: {  	v6 =	vunpack.c.0.s8.s32 v6;
	v5 =	vunpack.c.0.s8.s32 v5;
	v4 =	vunpack.c.0.s8.s32 v4  }
0x7e: {  	v2 =	vcombine.low v3, v2;
	v7 =	vadd.f32 v1, v0;
	v1 =	vimm.s32 $0xFEDCBA98  }
0x7f: {  	v3 =	vcombine.low v5, v4;
	v0 =	vimm.s32 $0x76543210;
	v1 =	vunpack.c.l.s4.s8 v1  }
0x80: {  	v4 =	vcombine.low v8, v6;
	v2 =	vand.u32 $0xF, v2;
	v0 =	vunpack.c.l.s4.s8 v0  }
0x81: {  	s31 =	sshll.u32 s4, $0x4;
	s9 =	smul.u32 $0xFFFFFDC0, s4;
	v5 =	vimm.s32 $0x0;
	v6 =	vimm.s32 $0x1;
	v1 =	vunpack.c.0.s8.s32 v1  }
0x82: {  	s12 =	simm.s32 $0x1;
	s14 =	simm.s32 $0x6380;
	s15 =	simm.s32 $0x6480;
	v8 =	vimm.s32 $0x3;
	v3 =	vand.u32 $0xF, v3;
	v9 =	vunpack.c.0.s8.s32 v0  }
0x83: {  	s11 =	simm.s32 $0x6280;
	s8 =	sadd.s32 s31, s2;
	s10 =	simm.s32 $0x0;
	v4 =	vand.u32 $0xF, v4;
	[tilespmem:s13+$0x6000] =	vst v7;
	v7 =	vimm.s32 $0x2;
	v1 =	vand.u32 $0xF, v1  }
0x84: {  	s6 =	smul.u32 $0x240, s4;
	s7 =	sadd.s32 s31, s1;
	s13 =	simm.s32 $0x6300;
	v0 =	vlaneseq.u32;
	v1 =	vcombine.low v1, v9;
	v9 =	vimm.s32 $0x4  }
.LBB2_3:
0x85: {  	s17 =	simm.s32 $0x0  }
0x86: {  	v11 =	vld [tilespmem:s17+$0x6000];
	_ =	sdelay $0x3  }
0x87: {  	v10 =	vimm.f32 $-Inf;
	s16 =	simm.s32 $0x40;
	v12 =	vimm.s32 $0x0;
	s17 =	smov.u32 s6  }
.LBB2_4:
0x88: {  	s18 =	sshra.s32 s16, $0x2;
	p0 =	sne.s32 s16, $0x8C0;
	s16 =	sadd.s32 $0x40, s16;
	v13 =	vor.u32 s17, v0;
	vm0 =	vgt.f32 v11, v10  }
.Ltmp1:
0x89: {  	v10 =	vsel vm0, v11, v10;
	v11 =	vld [tilespmem:s18+$0x6000];
	v12 =	vsel vm0, v13, v12;
	(pc) =	sbr.rel @p0 .LBB2_4-.Ltmp1, $2  }
0x8a: {  	_ =	sdelay $0x2  }
0x8b: {  	s17 =	sadd.s32 $0x10, s17  }
0x8c: {  	v13 =	vor.u32 s17, v0;
	vm0 =	vgt.f32 v11, v10  }
0x8d: {  	v10 =	vsel vm0, v11, v10;
	v11 =	vsel vm0, v13, v12  }
0x8e: {  	v12 =	vperm.xlane v10, v1;
	v13 =	vperm.xlane v11, v1;
	_ =	sdelay $0x1  }
0x8f: {  	vm0 =	veq.f32 v12, v10;
	vm1 =	vlt.s32 v13, v11  }
0x90: {  	vm2 =	vgt.f32 v12, v10;
	vm0 =	vmand vm0, vm1  }
0x91: {  	vm0 =	vmor vm2, vm0  }
0x92: {  	v10 =	vsel vm0, v12, v10;
	v11 =	vsel vm0, v13, v11  }
0x93: {  	v12 =	vperm.xlane v10, v2;
	v13 =	vperm.xlane v11, v2;
	_ =	sdelay $0x1  }
0x94: {  	vm0 =	veq.f32 v12, v10;
	vm1 =	vlt.s32 v13, v11  }
0x95: {  	vm2 =	vgt.f32 v12, v10;
	vm0 =	vmand vm0, vm1  }
0x96: {  	vm0 =	vmor vm2, vm0  }
0x97: {  	v10 =	vsel vm0, v12, v10;
	v11 =	vsel vm0, v13, v11  }
0x98: {  	v12 =	vperm.xlane v10, v3;
	v13 =	vperm.xlane v11, v3;
	_ =	sdelay $0x1  }
0x99: {  	vm0 =	veq.f32 v12, v10;
	vm1 =	vlt.s32 v13, v11  }
0x9a: {  	vm2 =	vgt.f32 v12, v10;
	vm0 =	vmand vm0, vm1  }
0x9b: {  	vm0 =	vmor vm2, vm0  }
0x9c: {  	v10 =	vsel vm0, v12, v10;
	v11 =	vsel vm0, v13, v11  }
0x9d: {  	v12 =	vperm.xlane v10, v4;
	v13 =	vperm.xlane v11, v4;
	_ =	sdelay $0x1  }
0x9e: {  	vm0 =	veq.f32 v12, v10;
	vm1 =	vlt.s32 v13, v11  }
0x9f: {  	vm2 =	vgt.f32 v12, v10;
	vm0 =	vmand vm0, vm1  }
0xa0: {  	vm0 =	vmor vm2, vm0  }
0xa1: {  	v10 =	vsel vm0, v12, v10  }
0xa2: {  	[tilespmem:$0x6280] =	vst v10  }
0xa3: {  	[spmem:s7] =	stream.linear.scatter [tilespmem:s11], [sflag:$0x1], $0x10, $0x38;
	[tilespmem:$0x65A8] =	vst v63  }
0xa4: {  	_ =	swait.ge [sflag:s12], $0x10  }
0xa5: {  	[sflag:s12] =	ssyncset.done $0x0  }
0xa6: {  	v10 =	vsel vm0, v13, v11;
	[sflag:s12] =	ssyncadd.s32 $0xFFFFFFF0  }
0xa7: {  	[tilespmem:$0x6300] =	vst v10  }
0xa8: {  	[spmem:s8] =	stream.linear.scatter [tilespmem:s13], [sflag:$0x1], $0x10, $0x38;
	[tilespmem:$0x65A8] =	vst v63  }
0xa9: {  	_ =	swait.ge [sflag:s12], $0x10  }
0xaa: {  	[sflag:s12] =	ssyncset.done $0x0  }
0xab: {  	[sflag:s12] =	ssyncadd.s32 $0xFFFFFFF0  }
0xac: {  	[bflag:$0x0] =	sbarrier.arrive $0xFFFF  }
0xad: {  	[tilespmem:s14], [sflag:$0x1] =	stream.linear.gather [spmem:s1], $0x100, $0x38;
	[tilespmem:$0x65A8] =	vst v63  }
0xae: {  	_ =	swait.ge [sflag:s12], $0x100  }
0xaf: {  	[sflag:s12] =	ssyncset.done $0x0  }
0xb0: {  	[sflag:s12] =	ssyncadd.s32 $0xFFFFFF00  }
0xb1: {  	[tilespmem:s15], [sflag:$0x1] =	stream.linear.gather [spmem:s2], $0x100, $0x38;
	[tilespmem:$0x65A8] =	vst v63  }
0xb2: {  	_ =	swait.ge [sflag:s12], $0x100  }
0xb3: {  	[sflag:s12] =	ssyncset.done $0x0  }
0xb4: {  	[sflag:s12] =	ssyncadd.s32 $0xFFFFFF00  }
0xb5: {  	v10 =	vld [tilespmem:$0x6380];
	_ =	sdelay $0x1  }
0xb6: {  	v11 =	vld [tilespmem:$0x6480]  }
0xb7: {  	v12 =	vld [tilespmem:$0x6390]  }
0xb8: {  	v13 =	vld [tilespmem:$0x6490]  }
0xb9: {  	v14 =	vld [tilespmem:$0x63A0];
	vm0 =	vlt.f32 v10, $-Inf;
	vm1 =	vgt.f32 v10, $-Inf  }
0xba: {  	v15 =	vld [tilespmem:$0x64A0];
	vm0 =	vmor vm1, vm0  }
0xbb: {  	v16 =	vld [tilespmem:$0x63B0];
	v10 =	vnsel vm0, $0xFF800000, v10  }
0xbc: {  	v17 =	vld [tilespmem:$0x64B0];
	vm1 =	vgt.f32 v12, v10  }
0xbd: {  	v10 =	vsel vm1, v12, v10;
	v12 =	vld [tilespmem:$0x63C0]  }
0xbe: {  	v18 =	vld [tilespmem:$0x64C0];
	vm2 =	vgt.f32 v14, v10  }
0xbf: {  	v10 =	vsel vm2, v14, v10;
	v14 =	vld [tilespmem:$0x63D0]  }
0xc0: {  	v19 =	vld [tilespmem:$0x64D0];
	vm3 =	vgt.f32 v16, v10  }
0xc1: {  	v10 =	vsel vm3, v16, v10;
	v16 =	vld [tilespmem:$0x63E0]  }
0xc2: {  	v20 =	vld [tilespmem:$0x64E0];
	vm4 =	vgt.f32 v12, v10  }
0xc3: {  	v10 =	vsel vm4, v12, v10;
	v12 =	vld [tilespmem:$0x63F0]  }
0xc4: {  	v21 =	vld [tilespmem:$0x64F0];
	vm5 =	vgt.f32 v14, v10  }
0xc5: {  	v10 =	vsel vm5, v14, v10;
	v14 =	vld [tilespmem:$0x6400]  }
0xc6: {  	v22 =	vld [tilespmem:$0x6500];
	vm6 =	vgt.f32 v16, v10  }
0xc7: {  	v10 =	vsel vm6, v16, v10;
	v16 =	vld [tilespmem:$0x6410]  }
0xc8: {  	v23 =	vld [tilespmem:$0x6510];
	vm7 =	vgt.f32 v12, v10  }
0xc9: {  	v10 =	vsel vm7, v12, v10;
	v12 =	vld [tilespmem:$0x6420]  }
0xca: {  	v24 =	vld [tilespmem:$0x6520];
	v11 =	vnsel vm0, $0x0, v11;
	vm0 =	vgt.f32 v14, v10  }
0xcb: {  	v11 =	vsel vm1, v13, v11;
	v13 =	vld [tilespmem:$0x6430];
	v10 =	vsel vm0, v14, v10  }
0xcc: {  	v11 =	vsel vm2, v15, v11;
	v15 =	vld [tilespmem:$0x6440];
	vm1 =	vgt.f32 v16, v10  }
0xcd: {  	v11 =	vsel vm3, v17, v11;
	v17 =	vld [tilespmem:$0x6550];
	v10 =	vsel vm1, v16, v10  }
0xce: {  	v11 =	vsel vm4, v18, v11;
	v14 =	vld [tilespmem:$0x6530];
	vm2 =	vgt.f32 v12, v10  }
0xcf: {  	v11 =	vsel vm5, v19, v11;
	v10 =	vsel vm2, v12, v10;
	v12 =	vld [tilespmem:$0x6450]  }
0xd0: {  	v11 =	vsel vm6, v20, v11;
	v16 =	vld [tilespmem:$0x6540];
	vm3 =	vgt.f32 v13, v10  }
0xd1: {  	v11 =	vsel vm7, v21, v11;
	v10 =	vsel vm3, v13, v10;
	v13 =	vld [tilespmem:$0x6460]  }
0xd2: {  	v18 =	vld [tilespmem:$0x6560];
	v11 =	vsel vm0, v22, v11;
	vm0 =	vgt.f32 v15, v10  }
0xd3: {  	v11 =	vsel vm1, v23, v11;
	v10 =	vsel vm0, v15, v10;
	v15 =	vld [tilespmem:$0x6470]  }
0xd4: {  	v19 =	vld [tilespmem:$0x6570];
	v11 =	vsel vm2, v24, v11;
	vm1 =	vgt.f32 v12, v10  }
0xd5: {  	v11 =	vsel vm3, v14, v11;
	v10 =	vsel vm1, v12, v10  }
0xd6: {  	v11 =	vsel vm0, v16, v11;
	vm0 =	vgt.f32 v13, v10  }
0xd7: {  	v11 =	vsel vm1, v17, v11;
	v10 =	vsel vm0, v13, v10  }
0xd8: {  	v11 =	vsel vm0, v18, v11;
	vm0 =	vgt.f32 v15, v10  }
0xd9: {  	v10 =	vsel vm0, v19, v11  }
0xda: {  	(v2sf) =	vpush v10, $0x0;
	_ =	sdelay $0xe  }
0xdb: {  	s16 =	spop (v2sf)  }
0xdc: {  	s31 =	smulhi.u32 $0x38E38E39, s16;
	s18 =	sshra.s32 s16, $0x1F  }
0xdd: {  	s18 =	smul.u32 $0x38E38E39, s18;
	_ =	sdelay $0x1  }
0xde: {  	s17 =	sadd.s32 s18, s31  }
0xdf: {  	s18 =	sshrl.u32 s17, $0x1F;
	s17 =	sshra.s32 s17, $0x7  }
0xe0: {  	s17 =	sadd.s32 s18, s17  }
0xe1: {  	s18 =	smul.u32 $0xFFFFFDC0, s17  }
0xe2: {  	s19 =	ssub.s32 $0x0, s16  }
0xe3: {  	p0 =	slt.s32 s16, $0x1;
	p1 =	sne.s32 s18, s19  }
0xe4: {  	p0 =	por !p0, !p1  }
0xe5: {  	s18 =	simm.s32 $0x1;
	p0 =	por !p0, !p0  }
0xe6: {  	s18 =	simm.s32 @!p0 $0x0  }
0xe7: {  	s17 =	ssub.s32 s17, s18  }
0xe8: {  	p0 =	sne.s32 s17, s4  }
0xe9: {  	s17 =	sadd.s32 @!p0 s16, s9;
	s16 =	sand.u32 @!p0 $0xF, s16  }
0xea: {  	p1 =	slt.s32 @!p0 s17, $0x1;
	p2 =	sne.s32 @!p0 s16, $0x0  }
0xeb: {  	s16 =	sshra.s32 @!p0 s17, $0x1F;
	p1 =	por @!p0 !p2, !p1  }
0xec: {  	s16 =	sshrl.u32 @!p0 s16, $0x1C;
	p1 =	por @!p0 !p1, !p1  }
0xed: {  	s18 =	simm.s32 @!p0 $0x1;
	s16 =	sadd.s32 @!p0 s16, s17;
	p1 =	por !p1, p0  }
0xee: {  	s16 =	sshrl.u32 @!p0 s16, $0x4;
	s18 =	simm.s32 @p1 $0x0  }
0xef: {  	s16 =	ssub.s32 @!p0 s16, s18  }
0xf0: {  	s16 =	sshll.u32 @!p0 s16, $0x4  }
0xf1: {  	v11 =	vld @!p0 [tilespmem:s16+$0x5B00]  }
0xf2: {  	s17 =	ssub.s32 @!p0 s17, s16;
	v12 =	vld @!p0 [tilespmem:s16+$0x5D80]  }
0xf3: {  	v14 =	vld @!p0 [tilespmem:s16+$0x5880];
	v13 =	vmov @!p0 s17  }
0xf4: {  	v15 =	vld @!p0 [tilespmem:s16+$0x5600];
	v13 =	vand.u32 @!p0 $0xF, v13  }
0xf5: {  	v16 =	vld @!p0 [tilespmem:s16+$0x5380];
	v13 =	vbroadcast @!p0 v13, $0x0;
	_ =	sdelay $0x1  }
0xf6: {  	v11 =	vperm.xlane @!p0 v11, v13;
	v12 =	vperm.xlane @!p0 v12, v13  }
0xf7: {  	vm0 =	vcmask @!p0 $0x3F10;
	v14 =	vperm.xlane @!p0 v14, v13  }
0xf8: {  	v15 =	vperm.xlane @!p0 v15, v13;
	v11 =	vsel @!p0 vm0, v12, v11;
	vm0 =	vcmask @!p0 $0x3F0C  }
0xf9: {  	v12 =	vperm.xlane @!p0 v16, v13;
	v11 =	vsel @!p0 vm0, v11, v14;
	vm0 =	vcmask @!p0 $0x3F08  }
0xfa: {  	v11 =	vsel @!p0 vm0, v11, v15;
	vm0 =	vmmov @!p0 $0x1  }
0xfb: {  	v11 =	vsel @!p0 vm0, v12, v11  }
0xfc: {  	s16 =	simm.s32 @!p0 $0x1;
	s17 =	simm.s32 @!p0 $0x6280;
	[tilespmem:$0x6280] =	vst @!p0 v11  }
0xfd: {  	[spmem:s3] =	stream.linear.scatter @!p0 [tilespmem:s17], [sflag:$0x1], $0x80, $0x38;
	[tilespmem:$0x65A8] =	vst v63  }
0xfe: {  	_ =	swait.ge @!p0 [sflag:s16], $0x80  }
0xff: {  	s18 =	sshll.u32 @!p0 s10, $0x4;
	[sflag:s16] =	ssyncset.done @!p0 $0x0  }
0x100: {  	s19 =	simm.s32 @!p0 $0x0;
	s18 =	sadd.s32 @!p0 s5, s18;
	[sflag:s16] =	ssyncadd.s32 @!p0 $0xFFFFFF80  }
0x101: {  	[hbm4b:s18+s19] =	stream.linear.scatter @!p0 [tilespmem:s17], [sflag:$0x1], $0x80, $0x38;
	[tilespmem:$0x65A8] =	vst v63  }
0x102: {  	_ =	swait.ge @!p0 [sflag:s16], $0x80  }
0x103: {  	[sflag:s16] =	ssyncset.done @!p0 $0x0  }
0x104: {  	[sflag:s16] =	ssyncadd.s32 @!p0 $0xFFFFFF80  }
0x105: {  	[bflag:$0x0] =	sbarrier.arrive $0xFFFF  }
0x106: {  	[tilespmem:s11], [sflag:$0x1] =	stream.linear.gather [spmem:s3], $0x80, $0x38;
	[tilespmem:$0x65A8] =	vst v63  }
0x107: {  	_ =	swait.ge [sflag:s12], $0x80  }
0x108: {  	[sflag:s12] =	ssyncset.done $0x0  }
0x109: {  	[sflag:s12] =	ssyncadd.s32 $0xFFFFFF80  }
0x10a: {  	s18 =	simm.s32 $0x0;
	v13 =	vld [tilespmem:$0x6280]  }
0x10b: {  	v16 =	vld [tilespmem:s18+$0x5380]  }
0x10c: {  	v17 =	vld [tilespmem:s18+$0x5600]  }
0x10d: {  	v18 =	vld [tilespmem:s18+$0x5880]  }
0x10e: {  	v19 =	vld [tilespmem:s18+$0x5B00];
	_ =	sdelay $0x1  }
0x10f: {  	v15 =	vperm.xlane v13, v5;
	v11 =	vperm.xlane v13, v6  }
0x110: {  	s16 =	simm.s32 $0x10;
	v20 =	vld [tilespmem:s18+$0x5D80];
	v14 =	vperm.xlane v13, v7;
	v12 =	vperm.xlane v13, v8  }
0x111: {  	v21 =	vld [tilespmem:s16+$0x5380];
	v16 =	vmax.f32 v15, v16  }
0x112: {  	v22 =	vld [tilespmem:s16+$0x5600];
	v18 =	vmin.f32 v14, v18;
	v17 =	vmax.f32 v11, v17;
	v19 =	vmin.f32 v12, v19  }
0x113: {  	v16 =	vsub.f32 v18, v16;
	v17 =	vsub.f32 v19, v17;
	v18 =	vld [tilespmem:s16+$0x5880]  }
0x114: {  	s17 =	simm.s32 $0x20;
	v13 =	vperm.xlane v13, v9;
	v19 =	vld [tilespmem:s16+$0x5B00]  }
0x115: {  	v24 =	vld [tilespmem:s17+$0x5600];
	v16 =	vmax.f32 v16, $0.0e+00;
	v17 =	vmax.f32 v17, $0.0e+00  }
0x116: {  	v25 =	vld [tilespmem:s17+$0x5880];
	v23 =	vmul.f32 v17, v16;
	v16 =	vadd.f32 v20, v13  }
0x117: {  	v17 =	vld [tilespmem:s16+$0x5D80]  }
0x118: {  	v21 =	vmax.f32 v15, v21;
	v20 =	vld [tilespmem:s17+$0x5380];
	v16 =	vsub.f32 v16, v23;
	v18 =	vmin.f32 v14, v18  }
0x119: {  	v22 =	vmax.f32 v11, v22;
	v19 =	vmin.f32 v12, v19;
	v18 =	vsub.f32 v18, v21;
	v21 =	vld [tilespmem:s17+$0x5B00]  }
0x11a: {  	v19 =	vsub.f32 v19, v22;
	v16 =	vadd.f32 $9.999999710e-10, v16  }
0x11b: {  	v22 =	vmin.f32 v14, v25  }
0x11c: {  	(erf) = vrcp.f32 v16;
	v16 =	vmax.f32 v18, $0.0e+00;
	v18 =	vmax.f32 v19, $0.0e+00  }
0x11d: {  	s19 =	simm.s32 $0x30;
	v17 =	vadd.f32 v17, v13;
	v16 =	vmul.f32 v18, v16;
	v18 =	vmax.f32 v15, v20  }
0x11e: {  	v26 =	vld [tilespmem:s19+$0x5880];
	v24 =	vmax.f32 v11, v24;
	v21 =	vmin.f32 v12, v21;
	v18 =	vsub.f32 v22, v18  }
0x11f: {  	v19 =	vld [tilespmem:s17+$0x5D80];
	v17 =	vsub.f32 v17, v16;
	v21 =	vsub.f32 v21, v24  }
0x120: {  	v25 =	vld [tilespmem:s19+$0x5600]  }
0x121: {  	v20 =	vld [tilespmem:s19+$0x5380];
	v22 =	vadd.f32 $9.999999710e-10, v17;
	v17 =	vmax.f32 v18, $0.0e+00;
	v21 =	vmax.f32 v21, $0.0e+00  }
0x122: {  	v24 =	vld [tilespmem:s19+$0x5B00];
	v17 =	vmul.f32 v21, v17;
	v21 =	vor.u32 s6, v0  }
0x123: {  	(erf) = vrcp.f32 v22  }
0x124: {  	v18 =	vld [tilespmem:s19+$0x5D80];
	v19 =	vadd.f32 v19, v13  }
0x125: {  	s20 =	simm.s32 $0x40;
	v26 =	vmin.f32 v14, v26;
	vm0 =	veq.s32 v21, v10;
	v22 =	vld [tilespmem:s18+$0x6000];
	v21 =	vpop (erf)  }
0x126: {  	v27 =	vmax.f32 v15, v20;
	v20 =	vld [tilespmem:s20+$0x5380];
	v28 =	vsub.f32 v19, v17;
	v29 =	vmul.f32 v21, v23  }
0x127: {  	v25 =	vmax.f32 v11, v25;
	v19 =	vld [tilespmem:s20+$0x5600];
	v24 =	vmin.f32 v12, v24;
	v23 =	vsub.f32 v26, v27  }
0x128: {  	s22 =	simm.s32 $0x140;
	s21 =	smov.u32 s6;
	v24 =	vsub.f32 v24, v25;
	v21 =	vld [tilespmem:s20+$0x5880];
	v25 =	vadd.f32 $9.999999710e-10, v28;
	vm1 =	vgt.f32 v29, $5.000000000e-01  }
.LBB2_6:
0x129: {  	p0 =	sne.s32 s22, $0x8C0;
	v26 =	vld [tilespmem:s20+$0x5B00];
	v23 =	vmax.f32 v23, $0.0e+00;
	vm0 =	vmor vm0, vm1  }
0x12a: {  	s21 =	sadd.s32 $0x10, s21;
	v24 =	vmax.f32 v24, $0.0e+00;
	(erf) = vrcp.f32 v25;
	v22 =	vsel vm0, $0xFF800000, v22  }
.Ltmp2:
0x12b: {  	v28 =	vor.u32 s21, v0;
	v24 =	vmul.f32 v24, v23;
	v23 =	vadd.f32 v18, v13;
	v18 =	vld [tilespmem:s20+$0x5D80];
	[tilespmem:s18+$0x6000] =	vst v22;
	s18 =	smov.u32 s16;
	s16 =	smov.u32 s17;
	(pc) =	sbr.rel @p0 .LBB2_6-.Ltmp2, $4  }
0x12c: {  	v27 =	vmax.f32 v15, v20;
	vm0 =	veq.s32 v28, v10;
	s17 =	smov.u32 s19;
	s19 =	smov.u32 s20;
	s20 =	sshra.s32 s22, $0x2;
	v22 =	vld [tilespmem:s18+$0x6000];
	v25 =	vpop (erf)  }
0x12d: {  	v20 =	vld [tilespmem:s20+$0x5380];
	v21 =	vmin.f32 v14, v21;
	v28 =	vsub.f32 v23, v24;
	v29 =	vmul.f32 v25, v16;
	v16 =	vmovc v17  }
0x12e: {  	v25 =	vmax.f32 v11, v19;
	v17 =	vmovc v24;
	v19 =	vld [tilespmem:s20+$0x5600];
	v26 =	vmin.f32 v12, v26;
	v23 =	vsub.f32 v21, v27  }
0x12f: {  	s22 =	sadd.s32 $0x40, s22;
	v21 =	vld [tilespmem:s20+$0x5880];
	v24 =	vsub.f32 v26, v25;
	v25 =	vadd.f32 $9.999999710e-10, v28;
	vm1 =	vgt.f32 v29, $5.000000000e-01  }
0x130: {  	v26 =	vld [tilespmem:s20+$0x5B00];
	v23 =	vmax.f32 v23, $0.0e+00;
	vm0 =	vmor vm0, vm1  }
0x131: {  	s21 =	sadd.s32 $0x10, s21;
	v24 =	vmax.f32 v24, $0.0e+00;
	(erf) = vrcp.f32 v25;
	v22 =	vsel vm0, $0xFF800000, v22  }
0x132: {  	v51 =	vld [tilespmem:s20+$0x5D80];
	v18 =	vadd.f32 v18, v13;
	v52 =	vor.u32 s21, v0;
	v23 =	vmul.f32 v24, v23;
	[tilespmem:s18+$0x6000] =	vst v22  }
0x133: {  	v15 =	vmax.f32 v15, v20;
	vm8 =	veq.s32 v52, v10;
	v53 =	vld [tilespmem:s16+$0x6000];
	v54 =	vpop (erf)  }
0x134: {  	v14 =	vmin.f32 v14, v21;
	v18 =	vsub.f32 v18, v23;
	v16 =	vmul.f32 v54, v16  }
0x135: {  	v11 =	vmax.f32 v11, v19;
	v12 =	vmin.f32 v12, v26;
	v14 =	vsub.f32 v14, v15  }
0x136: {  	v11 =	vsub.f32 v12, v11;
	v55 =	vadd.f32 $9.999999710e-10, v18;
	vm9 =	vgt.f32 v16, $5.000000000e-01  }
0x137: {  	v14 =	vmax.f32 v14, $0.0e+00;
	vm0 =	vmor vm8, vm9  }
0x138: {  	v11 =	vmax.f32 v11, $0.0e+00;
	(erf) = vrcp.f32 v55;
	v56 =	vsel vm0, $0xFF800000, v53  }
0x139: {  	v57 =	vadd.f32 v51, v13;
	v11 =	vmul.f32 v11, v14;
	[tilespmem:s16+$0x6000] =	vst v56  }
0x13a: {  	v12 =	vld [tilespmem:s17+$0x6000];
	v58 =	vpop (erf)  }
0x13b: {  	s31 =	sadd.s32 $0x10, s21;
	v13 =	vsub.f32 v57, v11;
	v14 =	vmul.f32 v58, v17  }
0x13c: {  	v59 =	vor.u32 s31, v0  }
0x13d: {  	vm10 =	veq.s32 v59, v10;
	v13 =	vadd.f32 $9.999999710e-10, v13;
	vm11 =	vgt.f32 v14, $5.000000000e-01  }
0x13e: {  	vm0 =	vmor vm10, vm11  }
0x13f: {  	(erf) = vrcp.f32 v13;
	v12 =	vsel vm0, $0xFF800000, v12  }
0x140: {  	[tilespmem:s17+$0x6000] =	vst v12  }
0x141: {  	v12 =	vld [tilespmem:s19+$0x6000];
	v60 =	vpop (erf)  }
0x142: {  	s16 =	sadd.s32 $0x10, s31;
	v13 =	vmul.f32 v60, v23  }
0x143: {  	v61 =	vor.u32 s16, v0  }
0x144: {  	vm12 =	veq.s32 v61, v10;
	vm13 =	vgt.f32 v13, $5.000000000e-01  }
0x145: {  	vm0 =	vmor vm12, vm13  }
0x146: {  	v12 =	vsel vm0, $0xFF800000, v12  }
0x147: {  	[tilespmem:s19+$0x6000] =	vst v12  }
0x148: {  	s10 =	sadd.s32 $0x1, s10;
	v12 =	vld [tilespmem:s20+$0x6000];
	v62 =	vpop (erf)  }
0x149: {  	p0 =	sne.s32 s10, $0x6;
	s16 =	sadd.s32 $0x10, s16;
	v11 =	vmul.f32 v62, v11  }
.Ltmp3:
0x14a: {  	v63 =	vor.u32 s16, v0;
	(pc) =	sbr.rel @p0 .LBB2_3-.Ltmp3, $4  }
0x14b: {  	vm14 =	veq.s32 v63, v10;
	vm15 =	vgt.f32 v11, $5.000000000e-01  }
0x14c: {  	vm0 =	vmor vm14, vm15  }
0x14d: {  	v10 =	vsel vm0, $0xFF800000, v12  }
0x14e: {  	[tilespmem:s20+$0x6000] =	vst v10  }
0x14f: {  	_ =	sfence.sel $0x180000  }
0x150: {  	[bflag:$0x0] =	sbarrier.arrive $0xFFFF  }
0x151: {  	p0 =	sne.s32 s4, $0x0;
	_ =	strace $0x90000047  }
0x152: {  	s0 =	sadd.s32 @!p0 $0x100000, s0;
	[bflag:$0x2] =	sbarrier.arrive $0xFFFF  }
0x153: {  	[sflag:s0] =	ssyncadd.tile.s32 @!p0 $0x1;
	_ =	shalt  }
.Lfunc_end2:
_tile_overlayer_lowered:
.L_overlay_start_2:
0x154: {  	(tag) =	ssettag $0x2  }
0x155: {  	s0 =	rddreg [dreg:$0x0];
	s2 =	stileid.u32  }
0x156: {  	s1 =	rddreg [dreg:$0x1];
	p0 =	sne.s32 s2, $0x0  }
0x157: {  	s3 =	rddreg [dreg:$0x2];
	[bflag:$0x3] =	sbarrier.arrive $0xFFFF;
	s2 =	simm.s32 @!p0 $0x1C01  }
0x158: {  	[timem:s3], [sflag:s2] =	dma.local @!p0 [hbm:s0], s1  }
0x159: {  	s0 =	simm.s32 @!p0 $0x1  }
0x15a: {  	_ =	swait.ge @!p0 [sflag:s0], s1  }
0x15b: {  	s1 =	ssub.s32 @!p0 $0x0, s1;
	[sflag:s0] =	ssyncset.done @!p0 $0x0  }
0x15c: {  	[sflag:s0] =	ssyncadd.s32 @!p0 s1  }
0x15d: {  	[bflag:$0x3] =	sbarrier.arrive $0xFFFF  }
0x15e: {  	_ =	shalt  }

</sc_bundles>
